<compile_context>
chip_gen: v7x
topology: tpu7x:2x2x1
jax: 0.10.2.dev20260603
libtpu: 0.0.44.dev20260713+nightly
codegen_flags: <defaults>
</compile_context>

<pallas_src>
import functools

import jax
import jax.numpy as jnp
from jax import lax
from jax.experimental import pallas as pl
from jax.experimental.pallas import tpu as pltpu
from jax.experimental.pallas import tpu_sc as plsc

NC = 2
NS = 16
NW = NC * NS
K = 80


def _sc_aggregate(x, src_r, dst_r, n_chunks):
    n, d = x.shape
    rpt = ((n // NS) // 8) * 8
    rem = n - rpt * (NS - 1)

    mesh = plsc.VectorSubcoreMesh(core_axis_name="c", subcore_axis_name="s")

    @functools.partial(
        pl.kernel,
        out_type=jax.ShapeDtypeStruct((NC, n, d), jnp.float32),
        mesh=mesh,
        scratch_types=[
            pltpu.VMEM_SHARED((n, d), jnp.float32),
            pltpu.VMEM((n_chunks * K,), jnp.int32),
            pltpu.VMEM((2, K), jnp.int32),
            pltpu.VMEM((2, K, d), jnp.float32),
            pltpu.SemaphoreType.DMA,
            pltpu.SemaphoreType.DMA,
            pltpu.SemaphoreType.DMA,
            pltpu.SemaphoreType.DMA,
        ],
    )
    def sc_agg(x_hbm, src_hbm, dst_hbm, out_hbm, agg_s, src_v, dst_v, rows_v,
               gsem0, gsem1, dsem0, dsem1):
        c = lax.axis_index("c")
        s = lax.axis_index("s")
        wid = s * NC + c

        pltpu.sync_copy(src_hbm.at[wid], src_v)

        def src_chunk(j):
            return src_v.at[pl.ds(pl.multiple_of(j * K, 8), K)]

        def start(j, b, gsem, dsem):
            pltpu.async_copy(dst_hbm.at[wid, j], dst_v.at[b], dsem)
            pltpu.async_copy(x_hbm.at[src_chunk(j)], rows_v.at[b], gsem)

        def drain(j, b, gsem, dsem):
            pltpu.make_async_copy(dst_hbm.at[wid, 0], dst_v.at[b], dsem).wait()
            pltpu.make_async_copy(
                x_hbm.at[src_chunk(0)], rows_v.at[b], gsem
            ).wait()
            pltpu.sync_copy(rows_v.at[b], agg_s.at[dst_v.at[b]], add=True)

        start(0, 0, gsem0, dsem0)
        start(1, 1, gsem1, dsem1)

        @pl.when(s < NS - 1)
        def _():
            pltpu.sync_copy(
                x_hbm.at[pl.ds(s * rpt, rpt)],
                agg_s.at[pl.ds(s * rpt, rpt)],
            )

        @pl.when(s == NS - 1)
        def _():
            pltpu.sync_copy(
                x_hbm.at[pl.ds((NS - 1) * rpt, rem)],
                agg_s.at[pl.ds((NS - 1) * rpt, rem)],
            )

        plsc.subcore_barrier()


        def body(m, carry):
            j0 = 2 * m
            drain(j0, 0, gsem0, dsem0)

            @pl.when(j0 + 2 < n_chunks)
            def _():
                start(j0 + 2, 0, gsem0, dsem0)

            drain(j0 + 1, 1, gsem1, dsem1)

            @pl.when(j0 + 3 < n_chunks)
            def _():
                start(j0 + 3, 1, gsem1, dsem1)

            return carry

        lax.fori_loop(0, n_chunks // 2, body, 0)
        if n_chunks % 2:
            drain(n_chunks - 1, 0, gsem0, dsem0)
        plsc.subcore_barrier()

        @pl.when(s < NS - 1)
        def _():
            pltpu.sync_copy(
                agg_s.at[pl.ds(s * rpt, rpt)],
                out_hbm.at[c, pl.ds(s * rpt, rpt)],
            )

        @pl.when(s == NS - 1)
        def _():
            pltpu.sync_copy(
                agg_s.at[pl.ds((NS - 1) * rpt, rem)],
                out_hbm.at[c, pl.ds((NS - 1) * rpt, rem)],
            )

    return sc_agg(x, src_r, dst_r)


def _mlp_kernel(a0_ref, a1_ref, x_ref, w1_ref, b1_ref, w2_ref, b2_ref, o_ref):
    h = a0_ref[0] + a1_ref[0] - x_ref[...]
    h = jnp.dot(h, w1_ref[...], preferred_element_type=jnp.float32) + b1_ref[...]
    h = jnp.maximum(h, 0.0)
    o_ref[...] = (
        jnp.dot(h, w2_ref[...], preferred_element_type=jnp.float32) + b2_ref[...]
    )


def kernel(x, edge_index, W1, b1, W2, b2):
    n, d = x.shape
    e = edge_index.shape[1]
    e_per = e // NW
    n_chunks = e_per // K

    src_r = edge_index[0].reshape(NW, e_per)
    dst_r = edge_index[1].reshape(NW, n_chunks, K)

    agg = _sc_aggregate(x, src_r, dst_r, n_chunks)

    rows_blk = 1000
    grid = (n // rows_blk,)
    out = pl.pallas_call(
        _mlp_kernel,
        grid=grid,
        in_specs=[
            pl.BlockSpec((1, rows_blk, d), lambda i: (0, i, 0)),
            pl.BlockSpec((1, rows_blk, d), lambda i: (1, i, 0)),
            pl.BlockSpec((rows_blk, d), lambda i: (i, 0)),
            pl.BlockSpec((d, d), lambda i: (0, 0)),
            pl.BlockSpec((1, d), lambda i: (0, 0)),
            pl.BlockSpec((d, d), lambda i: (0, 0)),
            pl.BlockSpec((1, d), lambda i: (0, 0)),
        ],
        out_specs=pl.BlockSpec((rows_blk, d), lambda i: (i, 0)),
        out_shape=jax.ShapeDtypeStruct((n, d), jnp.float32),
    )(agg, agg, x, W1, b1.reshape(1, d), W2, b2.reshape(1, d))
    return out

# --- scband reference (transcript-rebuilt; emitter-appended) ---
"""Pipeline reference for scband-layer-ginconv-7430293422228 (READ-ONLY COPY).

The authoritative reference and input builder live on the scoring server;
editing this copy changes nothing except your own understanding.
"""

import jax, jax.numpy as jnp
import numpy as np

N = 10000
E = 320000
D = 128

def setup_inputs(seed: int = 0) -> dict:
    key = jax.random.key(seed)
    k1, k2, k3, k4 = jax.random.split(key, 4)
    x = jax.random.normal(k1, (N, D), dtype=jnp.float32)
    edge_index = jax.random.randint(k2, (2, E), 0, N, dtype=jnp.int32)
    # GIN MLP params: Linear(D,D) -> ReLU -> Linear(D,D) (has_batchnorm=False)
    W1 = jax.random.normal(k3, (D, D), dtype=jnp.float32) * (1.0 / np.sqrt(D))
    b1 = jnp.zeros((D,), dtype=jnp.float32)
    W2 = jax.random.normal(k4, (D, D), dtype=jnp.float32) * (1.0 / np.sqrt(D))
    b2 = jnp.zeros((D,), dtype=jnp.float32)
    return {"x": x, "edge_index": edge_index, "W1": W1, "b1": b1, "W2": W2, "b2": b2}

def reference(x, edge_index, W1, b1, W2, b2):
    # PyG GINConv with default eps=0.0, train_eps=False:
    #   out = nn((1 + eps) * x + sum_{j in N(i)} x_j)
    src = edge_index[0]
    dst = edge_index[1]
    msgs = jnp.take(x, src, axis=0)                      # gather source features [E, D]
    agg = jax.ops.segment_sum(msgs, dst, num_segments=N)  # scatter-add to dst [N, D]
    h = (1.0 + 0.0) * x + agg
    h = h @ W1 + b1
    h = jax.nn.relu(h)
    h = h @ W2 + b2
    return h

if __name__ == "__main__":
    import jax
    _d = setup_inputs()
    print(jax.jit(kernel)(*tuple(_d.values())))

</pallas_src>

<mosaic_0001>
#map = affine_map<(d0, d1) -> (0, 0)>
#map1 = affine_map<(d0, d1) -> (0, 0, 0)>
module attributes {stable_mosaic.version = 14 : i64} {
  func.func @sc_agg(%arg0: i32, %arg1: i32, %arg2: memref<10000x128xf32, #tpu.memory_space<hbm>>, %arg3: memref<32x10000xi32, #tpu.memory_space<hbm>>, %arg4: memref<32x125x80xi32, #tpu.memory_space<hbm>>, %arg5: memref<2x10000x128xf32, #tpu.memory_space<hbm>>, %arg6: memref<10000x128xf32, #tpu.memory_space<vmem_shared>>, %arg7: memref<10000xi32, #tpu.memory_space<vmem>>, %arg8: memref<2x80xi32, #tpu.memory_space<vmem>>, %arg9: memref<2x80x128xf32, #tpu.memory_space<vmem>>, %arg10: memref<!tpu.dma_semaphore, #tpu.memory_space<semaphore_mem>>, %arg11: memref<!tpu.dma_semaphore, #tpu.memory_space<semaphore_mem>>, %arg12: memref<!tpu.dma_semaphore, #tpu.memory_space<semaphore_mem>>, %arg13: memref<!tpu.dma_semaphore, #tpu.memory_space<semaphore_mem>>) attributes {dimension_semantics = [#tpu.dimension_semantics<core_parallel>, #tpu.dimension_semantics<subcore_parallel>], iteration_bounds = array<i64: 2, 16>, scalar_prefetch = 0 : i64, scratch_operands = 8 : i64, tpu.core_type = #tpu.core_type<sc_vector_subcore>, window_params = [{transform_indices = #map}, {transform_indices = #map}, {transform_indices = #map1}, {transform_indices = #map1}]} {
    %mul3A = arith.constant 2 : i32
    %mul3A_0 = arith.muli %arg1, %mul3A : i32
    %add3A = arith.addi %mul3A_0, %arg0 : i32
    "tpu.region"() ({
      %run_scoped3A_96 = tpu.sem_alloc : memref<!tpu.dma_semaphore, #tpu.memory_space<semaphore_mem>>
      %dma_start3A_97 = arith.constant 0 : i32
      %dma_start3A_98 = tpu.memref_slice %arg3[%add3A, %dma_start3A_97] : memref<32x10000xi32, #tpu.memory_space<hbm>> -> memref<1x10000xi32, #tpu.memory_space<hbm>>
      %dma_start3A_99 = tpu.memref_squeeze %dma_start3A_98 : memref<1x10000xi32, #tpu.memory_space<hbm>> -> memref<10000xi32, #tpu.memory_space<hbm>>
      %dma_start3A_100 = arith.constant 0 : i32
      %dma_start3A_101 = tpu.memref_slice %arg3[%add3A, %dma_start3A_100] : memref<32x10000xi32, #tpu.memory_space<hbm>> -> memref<1x10000xi32, #tpu.memory_space<hbm>>
      %dma_start3A_102 = tpu.memref_squeeze %dma_start3A_101 : memref<1x10000xi32, #tpu.memory_space<hbm>> -> memref<10000xi32, #tpu.memory_space<hbm>>
      tpu.enqueue_dma source(%dma_start3A_102 : memref<10000xi32, #tpu.memory_space<hbm>>) target(%arg7 : memref<10000xi32, #tpu.memory_space<vmem>>) target_semaphore(%run_scoped3A_96 : memref<!tpu.dma_semaphore, #tpu.memory_space<semaphore_mem>>)
      %dma_wait3A_103 = arith.constant 0 : i32
      %dma_wait3A_104 = tpu.memref_slice %arg3[%add3A, %dma_wait3A_103] : memref<32x10000xi32, #tpu.memory_space<hbm>> -> memref<1x10000xi32, #tpu.memory_space<hbm>>
      %dma_wait3A_105 = tpu.memref_squeeze %dma_wait3A_104 : memref<1x10000xi32, #tpu.memory_space<hbm>> -> memref<10000xi32, #tpu.memory_space<hbm>>
      %dma_wait3A_106 = arith.constant 0 : i32
      %dma_wait3A_107 = tpu.memref_slice %arg3[%add3A, %dma_wait3A_106] : memref<32x10000xi32, #tpu.memory_space<hbm>> -> memref<1x10000xi32, #tpu.memory_space<hbm>>
      %dma_wait3A_108 = tpu.memref_squeeze %dma_wait3A_107 : memref<1x10000xi32, #tpu.memory_space<hbm>> -> memref<10000xi32, #tpu.memory_space<hbm>>
      tpu.wait_dma2 semaphore(%run_scoped3A_96 : memref<!tpu.dma_semaphore, #tpu.memory_space<semaphore_mem>>) src(%dma_wait3A_108 : memref<10000xi32, #tpu.memory_space<hbm>>) dst(%arg7 : memref<10000xi32, #tpu.memory_space<vmem>>)
      tpu.yield
    }) : () -> ()
    %dma_start3A = arith.constant 0 : i32
    %dma_start3A_1 = arith.constant 0 : i32
    %dma_start3A_2 = arith.constant 0 : i32
    %dma_start3A_3 = tpu.memref_slice %arg8[%dma_start3A_1, %dma_start3A_2] : memref<2x80xi32, #tpu.memory_space<vmem>> -> memref<1x80xi32, #tpu.memory_space<vmem>>
    %dma_start3A_4 = tpu.memref_squeeze %dma_start3A_3 : memref<1x80xi32, #tpu.memory_space<vmem>> -> memref<80xi32, #tpu.memory_space<vmem>>
    %dma_start3A_5 = arith.constant 0 : i32
    %dma_start3A_6 = tpu.memref_slice %arg4[%add3A, %dma_start3A, %dma_start3A_5] : memref<32x125x80xi32, #tpu.memory_space<hbm>> -> memref<1x1x80xi32, #tpu.memory_space<hbm>>
    %dma_start3A_7 = tpu.memref_squeeze %dma_start3A_6 : memref<1x1x80xi32, #tpu.memory_space<hbm>> -> memref<80xi32, #tpu.memory_space<hbm>>
    %dma_start3A_8 = arith.constant 0 : i32
    %dma_start3A_9 = tpu.memref_slice %arg8[%dma_start3A_1, %dma_start3A_8] : memref<2x80xi32, #tpu.memory_space<vmem>> -> memref<1x80xi32, #tpu.memory_space<vmem>>
    %dma_start3A_10 = tpu.memref_squeeze %dma_start3A_9 : memref<1x80xi32, #tpu.memory_space<vmem>> -> memref<80xi32, #tpu.memory_space<vmem>>
    %dma_start3A_11 = arith.constant 0 : i32
    %dma_start3A_12 = tpu.memref_slice %arg4[%add3A, %dma_start3A, %dma_start3A_11] : memref<32x125x80xi32, #tpu.memory_space<hbm>> -> memref<1x1x80xi32, #tpu.memory_space<hbm>>
    %dma_start3A_13 = tpu.memref_squeeze %dma_start3A_12 : memref<1x1x80xi32, #tpu.memory_space<hbm>> -> memref<80xi32, #tpu.memory_space<hbm>>
    tpu.enqueue_dma source(%dma_start3A_13 : memref<80xi32, #tpu.memory_space<hbm>>) target(%dma_start3A_10 : memref<80xi32, #tpu.memory_space<vmem>>) target_semaphore(%arg12 : memref<!tpu.dma_semaphore, #tpu.memory_space<semaphore_mem>>)
    %multiple_of3A = arith.constant 0 : i32
    %multiple_of3A_14 = tpu.assume_multiple %multiple_of3A, 8 : i32
    %dma_start3A_15 = arith.constant 0 : i32
    %dma_start3A_16 = arith.constant 0 : i32
    %dma_start3A_17 = arith.constant 0 : i32
    %dma_start3A_18 = tpu.memref_slice %arg9[%dma_start3A_15, %dma_start3A_16, %dma_start3A_17] : memref<2x80x128xf32, #tpu.memory_space<vmem>> -> memref<1x80x128xf32, #tpu.memory_space<vmem>>
    %dma_start3A_19 = tpu.memref_squeeze %dma_start3A_18 : memref<1x80x128xf32, #tpu.memory_space<vmem>> -> memref<80x128xf32, #tpu.memory_space<vmem>>
    %dma_start3A_20 = tpu.memref_slice %arg7[%multiple_of3A_14] : memref<10000xi32, #tpu.memory_space<vmem>> -> memref<80xi32, #tpu.memory_space<vmem>>
    %dma_start3A_21 = arith.constant 0 : i32
    %dma_start3A_22 = arith.constant 0 : i32
    %dma_start3A_23 = tpu.memref_slice %arg2[%dma_start3A_21, %dma_start3A_22] : memref<10000x128xf32, #tpu.memory_space<hbm>> -> memref<10000x128xf32, #tpu.memory_space<hbm>>
    tpu.enqueue_indirect_dma source(%dma_start3A_23 : memref<10000x128xf32, #tpu.memory_space<hbm>>) target(%dma_start3A_19 : memref<80x128xf32, #tpu.memory_space<vmem>>) offsets(%dma_start3A_20 : memref<80xi32, #tpu.memory_space<vmem>>) semaphore(%arg10 : memref<!tpu.dma_semaphore, #tpu.memory_space<semaphore_mem>>)
    %dma_start3A_24 = arith.constant 1 : i32
    %dma_start3A_25 = arith.constant 1 : i32
    %dma_start3A_26 = arith.constant 0 : i32
    %dma_start3A_27 = tpu.memref_slice %arg8[%dma_start3A_25, %dma_start3A_26] : memref<2x80xi32, #tpu.memory_space<vmem>> -> memref<1x80xi32, #tpu.memory_space<vmem>>
    %dma_start3A_28 = tpu.memref_squeeze %dma_start3A_27 : memref<1x80xi32, #tpu.memory_space<vmem>> -> memref<80xi32, #tpu.memory_space<vmem>>
    %dma_start3A_29 = arith.constant 0 : i32
    %dma_start3A_30 = tpu.memref_slice %arg4[%add3A, %dma_start3A_24, %dma_start3A_29] : memref<32x125x80xi32, #tpu.memory_space<hbm>> -> memref<1x1x80xi32, #tpu.memory_space<hbm>>
    %dma_start3A_31 = tpu.memref_squeeze %dma_start3A_30 : memref<1x1x80xi32, #tpu.memory_space<hbm>> -> memref<80xi32, #tpu.memory_space<hbm>>
    %dma_start3A_32 = arith.constant 0 : i32
    %dma_start3A_33 = tpu.memref_slice %arg8[%dma_start3A_25, %dma_start3A_32] : memref<2x80xi32, #tpu.memory_space<vmem>> -> memref<1x80xi32, #tpu.memory_space<vmem>>
    %dma_start3A_34 = tpu.memref_squeeze %dma_start3A_33 : memref<1x80xi32, #tpu.memory_space<vmem>> -> memref<80xi32, #tpu.memory_space<vmem>>
    %dma_start3A_35 = arith.constant 0 : i32
    %dma_start3A_36 = tpu.memref_slice %arg4[%add3A, %dma_start3A_24, %dma_start3A_35] : memref<32x125x80xi32, #tpu.memory_space<hbm>> -> memref<1x1x80xi32, #tpu.memory_space<hbm>>
    %dma_start3A_37 = tpu.memref_squeeze %dma_start3A_36 : memref<1x1x80xi32, #tpu.memory_space<hbm>> -> memref<80xi32, #tpu.memory_space<hbm>>
    tpu.enqueue_dma source(%dma_start3A_37 : memref<80xi32, #tpu.memory_space<hbm>>) target(%dma_start3A_34 : memref<80xi32, #tpu.memory_space<vmem>>) target_semaphore(%arg13 : memref<!tpu.dma_semaphore, #tpu.memory_space<semaphore_mem>>)
    %multiple_of3A_38 = arith.constant 80 : i32
    %multiple_of3A_39 = tpu.assume_multiple %multiple_of3A_38, 8 : i32
    %dma_start3A_40 = arith.constant 1 : i32
    %dma_start3A_41 = arith.constant 0 : i32
    %dma_start3A_42 = arith.constant 0 : i32
    %dma_start3A_43 = tpu.memref_slice %arg9[%dma_start3A_40, %dma_start3A_41, %dma_start3A_42] : memref<2x80x128xf32, #tpu.memory_space<vmem>> -> memref<1x80x128xf32, #tpu.memory_space<vmem>>
    %dma_start3A_44 = tpu.memref_squeeze %dma_start3A_43 : memref<1x80x128xf32, #tpu.memory_space<vmem>> -> memref<80x128xf32, #tpu.memory_space<vmem>>
    %dma_start3A_45 = tpu.memref_slice %arg7[%multiple_of3A_39] : memref<10000xi32, #tpu.memory_space<vmem>> -> memref<80xi32, #tpu.memory_space<vmem>>
    %dma_start3A_46 = arith.constant 0 : i32
    %dma_start3A_47 = arith.constant 0 : i32
    %dma_start3A_48 = tpu.memref_slice %arg2[%dma_start3A_46, %dma_start3A_47] : memref<10000x128xf32, #tpu.memory_space<hbm>> -> memref<10000x128xf32, #tpu.memory_space<hbm>>
    tpu.enqueue_indirect_dma source(%dma_start3A_48 : memref<10000x128xf32, #tpu.memory_space<hbm>>) target(%dma_start3A_44 : memref<80x128xf32, #tpu.memory_space<vmem>>) offsets(%dma_start3A_45 : memref<80xi32, #tpu.memory_space<vmem>>) semaphore(%arg11 : memref<!tpu.dma_semaphore, #tpu.memory_space<semaphore_mem>>)
    %lt3A = arith.constant 15 : i32
    %lt3A_49 = arith.cmpi slt, %arg1, %lt3A : i32
    %convert_element_type3A = arith.extui %lt3A_49 : i1 to i32
    %cond3A = arith.constant 0 : i32
    %cond3A_50 = arith.cmpi ne, %convert_element_type3A, %cond3A : i32
    scf.if %cond3A_50 {
      %mul3A_96 = arith.constant 624 : i32
      %mul3A_97 = arith.muli %arg1, %mul3A_96 : i32
      %mul3A_98 = arith.constant 624 : i32
      %mul3A_99 = arith.muli %arg1, %mul3A_98 : i32
      "tpu.region"() ({
        %run_scoped3A_100 = tpu.sem_alloc : memref<!tpu.dma_semaphore, #tpu.memory_space<semaphore_mem>>
        %dma_start3A_101 = arith.constant 0 : i32
        %dma_start3A_102 = tpu.memref_slice %arg6[%mul3A_99, %dma_start3A_101] : memref<10000x128xf32, #tpu.memory_space<vmem_shared>> -> memref<624x128xf32, #tpu.memory_space<vmem_shared>>
        %dma_start3A_103 = arith.constant 0 : i32
        %dma_start3A_104 = tpu.memref_slice %arg2[%mul3A_97, %dma_start3A_103] : memref<10000x128xf32, #tpu.memory_space<hbm>> -> memref<624x128xf32, #tpu.memory_space<hbm>>
        tpu.enqueue_dma source(%dma_start3A_104 : memref<624x128xf32, #tpu.memory_space<hbm>>) target(%dma_start3A_102 : memref<624x128xf32, #tpu.memory_space<vmem_shared>>) target_semaphore(%run_scoped3A_100 : memref<!tpu.dma_semaphore, #tpu.memory_space<semaphore_mem>>)
        %dma_wait3A_105 = arith.constant 0 : i32
        %dma_wait3A_106 = tpu.memref_slice %arg6[%mul3A_99, %dma_wait3A_105] : memref<10000x128xf32, #tpu.memory_space<vmem_shared>> -> memref<624x128xf32, #tpu.memory_space<vmem_shared>>
        %dma_wait3A_107 = arith.constant 0 : i32
        %dma_wait3A_108 = tpu.memref_slice %arg2[%mul3A_97, %dma_wait3A_107] : memref<10000x128xf32, #tpu.memory_space<hbm>> -> memref<624x128xf32, #tpu.memory_space<hbm>>
        tpu.wait_dma2 semaphore(%run_scoped3A_100 : memref<!tpu.dma_semaphore, #tpu.memory_space<semaphore_mem>>) src(%dma_wait3A_108 : memref<624x128xf32, #tpu.memory_space<hbm>>) dst(%dma_wait3A_106 : memref<624x128xf32, #tpu.memory_space<vmem_shared>>)
        tpu.yield
      }) : () -> ()
    } else {
    }
    %eq3A = arith.constant 15 : i32
    %eq3A_51 = arith.cmpi eq, %arg1, %eq3A : i32
    %convert_element_type3A_52 = arith.extui %eq3A_51 : i1 to i32
    %cond3A_53 = arith.constant 0 : i32
    %cond3A_54 = arith.cmpi ne, %convert_element_type3A_52, %cond3A_53 : i32
    scf.if %cond3A_54 {
      "tpu.region"() ({
        %run_scoped3A_96 = tpu.sem_alloc : memref<!tpu.dma_semaphore, #tpu.memory_space<semaphore_mem>>
        %dma_start3A_97 = arith.constant 9360 : i32
        %dma_start3A_98 = arith.constant 0 : i32
        %dma_start3A_99 = tpu.memref_slice %arg6[%dma_start3A_97, %dma_start3A_98] : memref<10000x128xf32, #tpu.memory_space<vmem_shared>> -> memref<640x128xf32, #tpu.memory_space<vmem_shared>>
        %dma_start3A_100 = arith.constant 9360 : i32
        %dma_start3A_101 = arith.constant 0 : i32
        %dma_start3A_102 = tpu.memref_slice %arg2[%dma_start3A_100, %dma_start3A_101] : memref<10000x128xf32, #tpu.memory_space<hbm>> -> memref<640x128xf32, #tpu.memory_space<hbm>>
        tpu.enqueue_dma source(%dma_start3A_102 : memref<640x128xf32, #tpu.memory_space<hbm>>) target(%dma_start3A_99 : memref<640x128xf32, #tpu.memory_space<vmem_shared>>) target_semaphore(%run_scoped3A_96 : memref<!tpu.dma_semaphore, #tpu.memory_space<semaphore_mem>>)
        %dma_wait3A_103 = arith.constant 9360 : i32
        %dma_wait3A_104 = arith.constant 0 : i32
        %dma_wait3A_105 = tpu.memref_slice %arg6[%dma_wait3A_103, %dma_wait3A_104] : memref<10000x128xf32, #tpu.memory_space<vmem_shared>> -> memref<640x128xf32, #tpu.memory_space<vmem_shared>>
        %dma_wait3A_106 = arith.constant 9360 : i32
        %dma_wait3A_107 = arith.constant 0 : i32
        %dma_wait3A_108 = tpu.memref_slice %arg2[%dma_wait3A_106, %dma_wait3A_107] : memref<10000x128xf32, #tpu.memory_space<hbm>> -> memref<640x128xf32, #tpu.memory_space<hbm>>
        tpu.wait_dma2 semaphore(%run_scoped3A_96 : memref<!tpu.dma_semaphore, #tpu.memory_space<semaphore_mem>>) src(%dma_wait3A_108 : memref<640x128xf32, #tpu.memory_space<hbm>>) dst(%dma_wait3A_105 : memref<640x128xf32, #tpu.memory_space<vmem_shared>>)
        tpu.yield
      }) : () -> ()
    } else {
    }
    %barrier3A = arith.constant 0 : index
    tpu.barrier barrier_id(%barrier3A)
    %scan3A = arith.constant 0 : i32
    %scan3A_55 = arith.constant 0 : i32
    %scan3A_56 = arith.constant 62 : i32
    %scan3A_57 = arith.addi %scan3A_55, %scan3A_56 : i32
    %scan3A_58 = arith.constant 1 : i32
    scf.for %scan3A_96 = %scan3A_55 to %scan3A_57 step %scan3A_58  : i32 {
      %mul3A_97 = arith.constant 2 : i32
      %mul3A_98 = arith.muli %mul3A_97, %scan3A_96 : i32
      %dma_wait3A_99 = arith.constant 0 : i32
      %dma_wait3A_100 = arith.constant 0 : i32
      %dma_wait3A_101 = arith.constant 0 : i32
      %dma_wait3A_102 = tpu.memref_slice %arg8[%dma_wait3A_100, %dma_wait3A_101] : memref<2x80xi32, #tpu.memory_space<vmem>> -> memref<1x80xi32, #tpu.memory_space<vmem>>
      %dma_wait3A_103 = tpu.memref_squeeze %dma_wait3A_102 : memref<1x80xi32, #tpu.memory_space<vmem>> -> memref<80xi32, #tpu.memory_space<vmem>>
      %dma_wait3A_104 = arith.constant 0 : i32
      %dma_wait3A_105 = tpu.memref_slice %arg4[%add3A, %dma_wait3A_99, %dma_wait3A_104] : memref<32x125x80xi32, #tpu.memory_space<hbm>> -> memref<1x1x80xi32, #tpu.memory_space<hbm>>
      %dma_wait3A_106 = tpu.memref_squeeze %dma_wait3A_105 : memref<1x1x80xi32, #tpu.memory_space<hbm>> -> memref<80xi32, #tpu.memory_space<hbm>>
      %dma_wait3A_107 = arith.constant 0 : i32
      %dma_wait3A_108 = tpu.memref_slice %arg8[%dma_wait3A_100, %dma_wait3A_107] : memref<2x80xi32, #tpu.memory_space<vmem>> -> memref<1x80xi32, #tpu.memory_space<vmem>>
      %dma_wait3A_109 = tpu.memref_squeeze %dma_wait3A_108 : memref<1x80xi32, #tpu.memory_space<vmem>> -> memref<80xi32, #tpu.memory_space<vmem>>
      %dma_wait3A_110 = arith.constant 0 : i32
      %dma_wait3A_111 = tpu.memref_slice %arg4[%add3A, %dma_wait3A_99, %dma_wait3A_110] : memref<32x125x80xi32, #tpu.memory_space<hbm>> -> memref<1x1x80xi32, #tpu.memory_space<hbm>>
      %dma_wait3A_112 = tpu.memref_squeeze %dma_wait3A_111 : memref<1x1x80xi32, #tpu.memory_space<hbm>> -> memref<80xi32, #tpu.memory_space<hbm>>
      tpu.wait_dma2 semaphore(%arg12 : memref<!tpu.dma_semaphore, #tpu.memory_space<semaphore_mem>>) src(%dma_wait3A_112 : memref<80xi32, #tpu.memory_space<hbm>>) dst(%dma_wait3A_109 : memref<80xi32, #tpu.memory_space<vmem>>)
      %multiple_of3A_113 = arith.constant 0 : i32
      %multiple_of3A_114 = tpu.assume_multiple %multiple_of3A_113, 8 : i32
      %dma_wait3A_115 = arith.constant 0 : i32
      %dma_wait3A_116 = arith.constant 0 : i32
      %dma_wait3A_117 = arith.constant 0 : i32
      %dma_wait3A_118 = tpu.memref_slice %arg9[%dma_wait3A_115, %dma_wait3A_116, %dma_wait3A_117] : memref<2x80x128xf32, #tpu.memory_space<vmem>> -> memref<1x80x128xf32, #tpu.memory_space<vmem>>
      %dma_wait3A_119 = tpu.memref_squeeze %dma_wait3A_118 : memref<1x80x128xf32, #tpu.memory_space<vmem>> -> memref<80x128xf32, #tpu.memory_space<vmem>>
      %dma_wait3A_120 = tpu.memref_slice %arg7[%multiple_of3A_114] : memref<10000xi32, #tpu.memory_space<vmem>> -> memref<80xi32, #tpu.memory_space<vmem>>
      %dma_wait3A_121 = arith.constant 0 : i32
      %dma_wait3A_122 = arith.constant 0 : i32
      %dma_wait3A_123 = tpu.memref_slice %arg2[%dma_wait3A_121, %dma_wait3A_122] : memref<10000x128xf32, #tpu.memory_space<hbm>> -> memref<10000x128xf32, #tpu.memory_space<hbm>>
      tpu.wait_indirect_dma semaphore(%arg10 : memref<!tpu.dma_semaphore, #tpu.memory_space<semaphore_mem>>) src(%dma_wait3A_123 : memref<10000x128xf32, #tpu.memory_space<hbm>>) dst(%dma_wait3A_119 : memref<80x128xf32, #tpu.memory_space<vmem>>)
      %run_scoped3A_124 = arith.constant 0 : i32
      %run_scoped3A_125 = arith.constant 0 : i32
      "tpu.region"() ({
        %run_scoped3A_169 = tpu.sem_alloc : memref<!tpu.dma_semaphore, #tpu.memory_space<semaphore_mem>>
        %dma_start3A_170 = arith.constant 0 : i32
        %dma_start3A_171 = arith.constant 0 : i32
        %dma_start3A_172 = tpu.memref_slice %arg9[%run_scoped3A_124, %dma_start3A_170, %dma_start3A_171] : memref<2x80x128xf32, #tpu.memory_space<vmem>> -> memref<1x80x128xf32, #tpu.memory_space<vmem>>
        %dma_start3A_173 = tpu.memref_squeeze %dma_start3A_172 : memref<1x80x128xf32, #tpu.memory_space<vmem>> -> memref<80x128xf32, #tpu.memory_space<vmem>>
        %dma_start3A_174 = arith.constant 0 : i32
        %dma_start3A_175 = tpu.memref_slice %arg8[%run_scoped3A_125, %dma_start3A_174] : memref<2x80xi32, #tpu.memory_space<vmem>> -> memref<1x80xi32, #tpu.memory_space<vmem>>
        %dma_start3A_176 = tpu.memref_squeeze %dma_start3A_175 : memref<1x80xi32, #tpu.memory_space<vmem>> -> memref<80xi32, #tpu.memory_space<vmem>>
        %dma_start3A_177 = arith.constant 0 : i32
        %dma_start3A_178 = arith.constant 0 : i32
        %dma_start3A_179 = tpu.memref_slice %arg6[%dma_start3A_177, %dma_start3A_178] : memref<10000x128xf32, #tpu.memory_space<vmem_shared>> -> memref<10000x128xf32, #tpu.memory_space<vmem_shared>>
        tpu.enqueue_indirect_dma source(%dma_start3A_173 : memref<80x128xf32, #tpu.memory_space<vmem>>) target(%dma_start3A_179 : memref<10000x128xf32, #tpu.memory_space<vmem_shared>>) offsets(%dma_start3A_176 : memref<80xi32, #tpu.memory_space<vmem>>) semaphore(%run_scoped3A_169 : memref<!tpu.dma_semaphore, #tpu.memory_space<semaphore_mem>>) {add = true}
        %dma_wait3A_180 = arith.constant 0 : i32
        %dma_wait3A_181 = arith.constant 0 : i32
        %dma_wait3A_182 = tpu.memref_slice %arg9[%run_scoped3A_124, %dma_wait3A_180, %dma_wait3A_181] : memref<2x80x128xf32, #tpu.memory_space<vmem>> -> memref<1x80x128xf32, #tpu.memory_space<vmem>>
        %dma_wait3A_183 = tpu.memref_squeeze %dma_wait3A_182 : memref<1x80x128xf32, #tpu.memory_space<vmem>> -> memref<80x128xf32, #tpu.memory_space<vmem>>
        %dma_wait3A_184 = arith.constant 0 : i32
        %dma_wait3A_185 = tpu.memref_slice %arg8[%run_scoped3A_125, %dma_wait3A_184] : memref<2x80xi32, #tpu.memory_space<vmem>> -> memref<1x80xi32, #tpu.memory_space<vmem>>
        %dma_wait3A_186 = tpu.memref_squeeze %dma_wait3A_185 : memref<1x80xi32, #tpu.memory_space<vmem>> -> memref<80xi32, #tpu.memory_space<vmem>>
        %dma_wait3A_187 = arith.constant 0 : i32
        %dma_wait3A_188 = arith.constant 0 : i32
        %dma_wait3A_189 = tpu.memref_slice %arg6[%dma_wait3A_187, %dma_wait3A_188] : memref<10000x128xf32, #tpu.memory_space<vmem_shared>> -> memref<10000x128xf32, #tpu.memory_space<vmem_shared>>
        tpu.wait_indirect_dma semaphore(%run_scoped3A_169 : memref<!tpu.dma_semaphore, #tpu.memory_space<semaphore_mem>>) src(%dma_wait3A_183 : memref<80x128xf32, #tpu.memory_space<vmem>>) dst(%dma_wait3A_189 : memref<10000x128xf32, #tpu.memory_space<vmem_shared>>)
        tpu.yield
      }) : () -> ()
      %add3A_126 = arith.constant 2 : i32
      %add3A_127 = arith.addi %mul3A_98, %add3A_126 : i32
      %lt3A_128 = arith.constant 125 : i32
      %lt3A_129 = arith.cmpi slt, %add3A_127, %lt3A_128 : i32
      %convert_element_type3A_130 = arith.extui %lt3A_129 : i1 to i32
      %cond3A_131 = arith.constant 0 : i32
      %cond3A_132 = arith.cmpi ne, %convert_element_type3A_130, %cond3A_131 : i32
      scf.if %cond3A_132 {
        %add3A_169 = arith.constant 2 : i32
        %add3A_170 = arith.addi %mul3A_98, %add3A_169 : i32
        %dma_start3A_171 = arith.constant 0 : i32
        %dma_start3A_172 = arith.constant 0 : i32
        %dma_start3A_173 = tpu.memref_slice %arg8[%dma_start3A_171, %dma_start3A_172] : memref<2x80xi32, #tpu.memory_space<vmem>> -> memref<1x80xi32, #tpu.memory_space<vmem>>
        %dma_start3A_174 = tpu.memref_squeeze %dma_start3A_173 : memref<1x80xi32, #tpu.memory_space<vmem>> -> memref<80xi32, #tpu.memory_space<vmem>>
        %dma_start3A_175 = arith.constant 0 : i32
        %dma_start3A_176 = tpu.memref_slice %arg4[%add3A, %add3A_170, %dma_start3A_175] : memref<32x125x80xi32, #tpu.memory_space<hbm>> -> memref<1x1x80xi32, #tpu.memory_space<hbm>>
        %dma_start3A_177 = tpu.memref_squeeze %dma_start3A_176 : memref<1x1x80xi32, #tpu.memory_space<hbm>> -> memref<80xi32, #tpu.memory_space<hbm>>
        %dma_start3A_178 = arith.constant 0 : i32
        %dma_start3A_179 = tpu.memref_slice %arg8[%dma_start3A_171, %dma_start3A_178] : memref<2x80xi32, #tpu.memory_space<vmem>> -> memref<1x80xi32, #tpu.memory_space<vmem>>
        %dma_start3A_180 = tpu.memref_squeeze %dma_start3A_179 : memref<1x80xi32, #tpu.memory_space<vmem>> -> memref<80xi32, #tpu.memory_space<vmem>>
        %dma_start3A_181 = arith.constant 0 : i32
        %dma_start3A_182 = tpu.memref_slice %arg4[%add3A, %add3A_170, %dma_start3A_181] : memref<32x125x80xi32, #tpu.memory_space<hbm>> -> memref<1x1x80xi32, #tpu.memory_space<hbm>>
        %dma_start3A_183 = tpu.memref_squeeze %dma_start3A_182 : memref<1x1x80xi32, #tpu.memory_space<hbm>> -> memref<80xi32, #tpu.memory_space<hbm>>
        tpu.enqueue_dma source(%dma_start3A_183 : memref<80xi32, #tpu.memory_space<hbm>>) target(%dma_start3A_180 : memref<80xi32, #tpu.memory_space<vmem>>) target_semaphore(%arg12 : memref<!tpu.dma_semaphore, #tpu.memory_space<semaphore_mem>>)
        %mul3A_184 = arith.constant 80 : i32
        %mul3A_185 = arith.muli %add3A_170, %mul3A_184 : i32
        %multiple_of3A_186 = tpu.assume_multiple %mul3A_185, 8 : i32
        %dma_start3A_187 = arith.constant 0 : i32
        %dma_start3A_188 = arith.constant 0 : i32
        %dma_start3A_189 = arith.constant 0 : i32
        %dma_start3A_190 = tpu.memref_slice %arg9[%dma_start3A_187, %dma_start3A_188, %dma_start3A_189] : memref<2x80x128xf32, #tpu.memory_space<vmem>> -> memref<1x80x128xf32, #tpu.memory_space<vmem>>
        %dma_start3A_191 = tpu.memref_squeeze %dma_start3A_190 : memref<1x80x128xf32, #tpu.memory_space<vmem>> -> memref<80x128xf32, #tpu.memory_space<vmem>>
        %dma_start3A_192 = tpu.memref_slice %arg7[%multiple_of3A_186] : memref<10000xi32, #tpu.memory_space<vmem>> -> memref<80xi32, #tpu.memory_space<vmem>>
        %dma_start3A_193 = arith.constant 0 : i32
        %dma_start3A_194 = arith.constant 0 : i32
        %dma_start3A_195 = tpu.memref_slice %arg2[%dma_start3A_193, %dma_start3A_194] : memref<10000x128xf32, #tpu.memory_space<hbm>> -> memref<10000x128xf32, #tpu.memory_space<hbm>>
        tpu.enqueue_indirect_dma source(%dma_start3A_195 : memref<10000x128xf32, #tpu.memory_space<hbm>>) target(%dma_start3A_191 : memref<80x128xf32, #tpu.memory_space<vmem>>) offsets(%dma_start3A_192 : memref<80xi32, #tpu.memory_space<vmem>>) semaphore(%arg10 : memref<!tpu.dma_semaphore, #tpu.memory_space<semaphore_mem>>)
      } else {
      }
      %add3A_133 = arith.constant 1 : i32
      %add3A_134 = arith.addi %mul3A_98, %add3A_133 : i32
      %dma_wait3A_135 = arith.constant 0 : i32
      %dma_wait3A_136 = arith.constant 1 : i32
      %dma_wait3A_137 = arith.constant 0 : i32
      %dma_wait3A_138 = tpu.memref_slice %arg8[%dma_wait3A_136, %dma_wait3A_137] : memref<2x80xi32, #tpu.memory_space<vmem>> -> memref<1x80xi32, #tpu.memory_space<vmem>>
      %dma_wait3A_139 = tpu.memref_squeeze %dma_wait3A_138 : memref<1x80xi32, #tpu.memory_space<vmem>> -> memref<80xi32, #tpu.memory_space<vmem>>
      %dma_wait3A_140 = arith.constant 0 : i32
      %dma_wait3A_141 = tpu.memref_slice %arg4[%add3A, %dma_wait3A_135, %dma_wait3A_140] : memref<32x125x80xi32, #tpu.memory_space<hbm>> -> memref<1x1x80xi32, #tpu.memory_space<hbm>>
      %dma_wait3A_142 = tpu.memref_squeeze %dma_wait3A_141 : memref<1x1x80xi32, #tpu.memory_space<hbm>> -> memref<80xi32, #tpu.memory_space<hbm>>
      %dma_wait3A_143 = arith.constant 0 : i32
      %dma_wait3A_144 = tpu.memref_slice %arg8[%dma_wait3A_136, %dma_wait3A_143] : memref<2x80xi32, #tpu.memory_space<vmem>> -> memref<1x80xi32, #tpu.memory_space<vmem>>
      %dma_wait3A_145 = tpu.memref_squeeze %dma_wait3A_144 : memref<1x80xi32, #tpu.memory_space<vmem>> -> memref<80xi32, #tpu.memory_space<vmem>>
      %dma_wait3A_146 = arith.constant 0 : i32
      %dma_wait3A_147 = tpu.memref_slice %arg4[%add3A, %dma_wait3A_135, %dma_wait3A_146] : memref<32x125x80xi32, #tpu.memory_space<hbm>> -> memref<1x1x80xi32, #tpu.memory_space<hbm>>
      %dma_wait3A_148 = tpu.memref_squeeze %dma_wait3A_147 : memref<1x1x80xi32, #tpu.memory_space<hbm>> -> memref<80xi32, #tpu.memory_space<hbm>>
      tpu.wait_dma2 semaphore(%arg13 : memref<!tpu.dma_semaphore, #tpu.memory_space<semaphore_mem>>) src(%dma_wait3A_148 : memref<80xi32, #tpu.memory_space<hbm>>) dst(%dma_wait3A_145 : memref<80xi32, #tpu.memory_space<vmem>>)
      %multiple_of3A_149 = arith.constant 0 : i32
      %multiple_of3A_150 = tpu.assume_multiple %multiple_of3A_149, 8 : i32
      %dma_wait3A_151 = arith.constant 1 : i32
      %dma_wait3A_152 = arith.constant 0 : i32
      %dma_wait3A_153 = arith.constant 0 : i32
      %dma_wait3A_154 = tpu.memref_slice %arg9[%dma_wait3A_151, %dma_wait3A_152, %dma_wait3A_153] : memref<2x80x128xf32, #tpu.memory_space<vmem>> -> memref<1x80x128xf32, #tpu.memory_space<vmem>>
      %dma_wait3A_155 = tpu.memref_squeeze %dma_wait3A_154 : memref<1x80x128xf32, #tpu.memory_space<vmem>> -> memref<80x128xf32, #tpu.memory_space<vmem>>
      %dma_wait3A_156 = tpu.memref_slice %arg7[%multiple_of3A_150] : memref<10000xi32, #tpu.memory_space<vmem>> -> memref<80xi32, #tpu.memory_space<vmem>>
      %dma_wait3A_157 = arith.constant 0 : i32
      %dma_wait3A_158 = arith.constant 0 : i32
      %dma_wait3A_159 = tpu.memref_slice %arg2[%dma_wait3A_157, %dma_wait3A_158] : memref<10000x128xf32, #tpu.memory_space<hbm>> -> memref<10000x128xf32, #tpu.memory_space<hbm>>
      tpu.wait_indirect_dma semaphore(%arg11 : memref<!tpu.dma_semaphore, #tpu.memory_space<semaphore_mem>>) src(%dma_wait3A_159 : memref<10000x128xf32, #tpu.memory_space<hbm>>) dst(%dma_wait3A_155 : memref<80x128xf32, #tpu.memory_space<vmem>>)
      %run_scoped3A_160 = arith.constant 1 : i32
      %run_scoped3A_161 = arith.constant 1 : i32
      "tpu.region"() ({
        %run_scoped3A_169 = tpu.sem_alloc : memref<!tpu.dma_semaphore, #tpu.memory_space<semaphore_mem>>
        %dma_start3A_170 = arith.constant 0 : i32
        %dma_start3A_171 = arith.constant 0 : i32
        %dma_start3A_172 = tpu.memref_slice %arg9[%run_scoped3A_160, %dma_start3A_170, %dma_start3A_171] : memref<2x80x128xf32, #tpu.memory_space<vmem>> -> memref<1x80x128xf32, #tpu.memory_space<vmem>>
        %dma_start3A_173 = tpu.memref_squeeze %dma_start3A_172 : memref<1x80x128xf32, #tpu.memory_space<vmem>> -> memref<80x128xf32, #tpu.memory_space<vmem>>
        %dma_start3A_174 = arith.constant 0 : i32
        %dma_start3A_175 = tpu.memref_slice %arg8[%run_scoped3A_161, %dma_start3A_174] : memref<2x80xi32, #tpu.memory_space<vmem>> -> memref<1x80xi32, #tpu.memory_space<vmem>>
        %dma_start3A_176 = tpu.memref_squeeze %dma_start3A_175 : memref<1x80xi32, #tpu.memory_space<vmem>> -> memref<80xi32, #tpu.memory_space<vmem>>
        %dma_start3A_177 = arith.constant 0 : i32
        %dma_start3A_178 = arith.constant 0 : i32
        %dma_start3A_179 = tpu.memref_slice %arg6[%dma_start3A_177, %dma_start3A_178] : memref<10000x128xf32, #tpu.memory_space<vmem_shared>> -> memref<10000x128xf32, #tpu.memory_space<vmem_shared>>
        tpu.enqueue_indirect_dma source(%dma_start3A_173 : memref<80x128xf32, #tpu.memory_space<vmem>>) target(%dma_start3A_179 : memref<10000x128xf32, #tpu.memory_space<vmem_shared>>) offsets(%dma_start3A_176 : memref<80xi32, #tpu.memory_space<vmem>>) semaphore(%run_scoped3A_169 : memref<!tpu.dma_semaphore, #tpu.memory_space<semaphore_mem>>) {add = true}
        %dma_wait3A_180 = arith.constant 0 : i32
        %dma_wait3A_181 = arith.constant 0 : i32
        %dma_wait3A_182 = tpu.memref_slice %arg9[%run_scoped3A_160, %dma_wait3A_180, %dma_wait3A_181] : memref<2x80x128xf32, #tpu.memory_space<vmem>> -> memref<1x80x128xf32, #tpu.memory_space<vmem>>
        %dma_wait3A_183 = tpu.memref_squeeze %dma_wait3A_182 : memref<1x80x128xf32, #tpu.memory_space<vmem>> -> memref<80x128xf32, #tpu.memory_space<vmem>>
        %dma_wait3A_184 = arith.constant 0 : i32
        %dma_wait3A_185 = tpu.memref_slice %arg8[%run_scoped3A_161, %dma_wait3A_184] : memref<2x80xi32, #tpu.memory_space<vmem>> -> memref<1x80xi32, #tpu.memory_space<vmem>>
        %dma_wait3A_186 = tpu.memref_squeeze %dma_wait3A_185 : memref<1x80xi32, #tpu.memory_space<vmem>> -> memref<80xi32, #tpu.memory_space<vmem>>
        %dma_wait3A_187 = arith.constant 0 : i32
        %dma_wait3A_188 = arith.constant 0 : i32
        %dma_wait3A_189 = tpu.memref_slice %arg6[%dma_wait3A_187, %dma_wait3A_188] : memref<10000x128xf32, #tpu.memory_space<vmem_shared>> -> memref<10000x128xf32, #tpu.memory_space<vmem_shared>>
        tpu.wait_indirect_dma semaphore(%run_scoped3A_169 : memref<!tpu.dma_semaphore, #tpu.memory_space<semaphore_mem>>) src(%dma_wait3A_183 : memref<80x128xf32, #tpu.memory_space<vmem>>) dst(%dma_wait3A_189 : memref<10000x128xf32, #tpu.memory_space<vmem_shared>>)
        tpu.yield
      }) : () -> ()
      %add3A_162 = arith.constant 3 : i32
      %add3A_163 = arith.addi %mul3A_98, %add3A_162 : i32
      %lt3A_164 = arith.constant 125 : i32
      %lt3A_165 = arith.cmpi slt, %add3A_163, %lt3A_164 : i32
      %convert_element_type3A_166 = arith.extui %lt3A_165 : i1 to i32
      %cond3A_167 = arith.constant 0 : i32
      %cond3A_168 = arith.cmpi ne, %convert_element_type3A_166, %cond3A_167 : i32
      scf.if %cond3A_168 {
        %add3A_169 = arith.constant 3 : i32
        %add3A_170 = arith.addi %mul3A_98, %add3A_169 : i32
        %dma_start3A_171 = arith.constant 1 : i32
        %dma_start3A_172 = arith.constant 0 : i32
        %dma_start3A_173 = tpu.memref_slice %arg8[%dma_start3A_171, %dma_start3A_172] : memref<2x80xi32, #tpu.memory_space<vmem>> -> memref<1x80xi32, #tpu.memory_space<vmem>>
        %dma_start3A_174 = tpu.memref_squeeze %dma_start3A_173 : memref<1x80xi32, #tpu.memory_space<vmem>> -> memref<80xi32, #tpu.memory_space<vmem>>
        %dma_start3A_175 = arith.constant 0 : i32
        %dma_start3A_176 = tpu.memref_slice %arg4[%add3A, %add3A_170, %dma_start3A_175] : memref<32x125x80xi32, #tpu.memory_space<hbm>> -> memref<1x1x80xi32, #tpu.memory_space<hbm>>
        %dma_start3A_177 = tpu.memref_squeeze %dma_start3A_176 : memref<1x1x80xi32, #tpu.memory_space<hbm>> -> memref<80xi32, #tpu.memory_space<hbm>>
        %dma_start3A_178 = arith.constant 0 : i32
        %dma_start3A_179 = tpu.memref_slice %arg8[%dma_start3A_171, %dma_start3A_178] : memref<2x80xi32, #tpu.memory_space<vmem>> -> memref<1x80xi32, #tpu.memory_space<vmem>>
        %dma_start3A_180 = tpu.memref_squeeze %dma_start3A_179 : memref<1x80xi32, #tpu.memory_space<vmem>> -> memref<80xi32, #tpu.memory_space<vmem>>
        %dma_start3A_181 = arith.constant 0 : i32
        %dma_start3A_182 = tpu.memref_slice %arg4[%add3A, %add3A_170, %dma_start3A_181] : memref<32x125x80xi32, #tpu.memory_space<hbm>> -> memref<1x1x80xi32, #tpu.memory_space<hbm>>
        %dma_start3A_183 = tpu.memref_squeeze %dma_start3A_182 : memref<1x1x80xi32, #tpu.memory_space<hbm>> -> memref<80xi32, #tpu.memory_space<hbm>>
        tpu.enqueue_dma source(%dma_start3A_183 : memref<80xi32, #tpu.memory_space<hbm>>) target(%dma_start3A_180 : memref<80xi32, #tpu.memory_space<vmem>>) target_semaphore(%arg13 : memref<!tpu.dma_semaphore, #tpu.memory_space<semaphore_mem>>)
        %mul3A_184 = arith.constant 80 : i32
        %mul3A_185 = arith.muli %add3A_170, %mul3A_184 : i32
        %multiple_of3A_186 = tpu.assume_multiple %mul3A_185, 8 : i32
        %dma_start3A_187 = arith.constant 1 : i32
        %dma_start3A_188 = arith.constant 0 : i32
        %dma_start3A_189 = arith.constant 0 : i32
        %dma_start3A_190 = tpu.memref_slice %arg9[%dma_start3A_187, %dma_start3A_188, %dma_start3A_189] : memref<2x80x128xf32, #tpu.memory_space<vmem>> -> memref<1x80x128xf32, #tpu.memory_space<vmem>>
        %dma_start3A_191 = tpu.memref_squeeze %dma_start3A_190 : memref<1x80x128xf32, #tpu.memory_space<vmem>> -> memref<80x128xf32, #tpu.memory_space<vmem>>
        %dma_start3A_192 = tpu.memref_slice %arg7[%multiple_of3A_186] : memref<10000xi32, #tpu.memory_space<vmem>> -> memref<80xi32, #tpu.memory_space<vmem>>
        %dma_start3A_193 = arith.constant 0 : i32
        %dma_start3A_194 = arith.constant 0 : i32
        %dma_start3A_195 = tpu.memref_slice %arg2[%dma_start3A_193, %dma_start3A_194] : memref<10000x128xf32, #tpu.memory_space<hbm>> -> memref<10000x128xf32, #tpu.memory_space<hbm>>
        tpu.enqueue_indirect_dma source(%dma_start3A_195 : memref<10000x128xf32, #tpu.memory_space<hbm>>) target(%dma_start3A_191 : memref<80x128xf32, #tpu.memory_space<vmem>>) offsets(%dma_start3A_192 : memref<80xi32, #tpu.memory_space<vmem>>) semaphore(%arg11 : memref<!tpu.dma_semaphore, #tpu.memory_space<semaphore_mem>>)
      } else {
      }
    }
    %scan3A_59 = arith.constant 62 : i32
    %dma_wait3A = arith.constant 0 : i32
    %dma_wait3A_60 = arith.constant 0 : i32
    %dma_wait3A_61 = arith.constant 0 : i32
    %dma_wait3A_62 = tpu.memref_slice %arg8[%dma_wait3A_60, %dma_wait3A_61] : memref<2x80xi32, #tpu.memory_space<vmem>> -> memref<1x80xi32, #tpu.memory_space<vmem>>
    %dma_wait3A_63 = tpu.memref_squeeze %dma_wait3A_62 : memref<1x80xi32, #tpu.memory_space<vmem>> -> memref<80xi32, #tpu.memory_space<vmem>>
    %dma_wait3A_64 = arith.constant 0 : i32
    %dma_wait3A_65 = tpu.memref_slice %arg4[%add3A, %dma_wait3A, %dma_wait3A_64] : memref<32x125x80xi32, #tpu.memory_space<hbm>> -> memref<1x1x80xi32, #tpu.memory_space<hbm>>
    %dma_wait3A_66 = tpu.memref_squeeze %dma_wait3A_65 : memref<1x1x80xi32, #tpu.memory_space<hbm>> -> memref<80xi32, #tpu.memory_space<hbm>>
    %dma_wait3A_67 = arith.constant 0 : i32
    %dma_wait3A_68 = tpu.memref_slice %arg8[%dma_wait3A_60, %dma_wait3A_67] : memref<2x80xi32, #tpu.memory_space<vmem>> -> memref<1x80xi32, #tpu.memory_space<vmem>>
    %dma_wait3A_69 = tpu.memref_squeeze %dma_wait3A_68 : memref<1x80xi32, #tpu.memory_space<vmem>> -> memref<80xi32, #tpu.memory_space<vmem>>
    %dma_wait3A_70 = arith.constant 0 : i32
    %dma_wait3A_71 = tpu.memref_slice %arg4[%add3A, %dma_wait3A, %dma_wait3A_70] : memref<32x125x80xi32, #tpu.memory_space<hbm>> -> memref<1x1x80xi32, #tpu.memory_space<hbm>>
    %dma_wait3A_72 = tpu.memref_squeeze %dma_wait3A_71 : memref<1x1x80xi32, #tpu.memory_space<hbm>> -> memref<80xi32, #tpu.memory_space<hbm>>
    tpu.wait_dma2 semaphore(%arg12 : memref<!tpu.dma_semaphore, #tpu.memory_space<semaphore_mem>>) src(%dma_wait3A_72 : memref<80xi32, #tpu.memory_space<hbm>>) dst(%dma_wait3A_69 : memref<80xi32, #tpu.memory_space<vmem>>)
    %multiple_of3A_73 = arith.constant 0 : i32
    %multiple_of3A_74 = tpu.assume_multiple %multiple_of3A_73, 8 : i32
    %dma_wait3A_75 = arith.constant 0 : i32
    %dma_wait3A_76 = arith.constant 0 : i32
    %dma_wait3A_77 = arith.constant 0 : i32
    %dma_wait3A_78 = tpu.memref_slice %arg9[%dma_wait3A_75, %dma_wait3A_76, %dma_wait3A_77] : memref<2x80x128xf32, #tpu.memory_space<vmem>> -> memref<1x80x128xf32, #tpu.memory_space<vmem>>
    %dma_wait3A_79 = tpu.memref_squeeze %dma_wait3A_78 : memref<1x80x128xf32, #tpu.memory_space<vmem>> -> memref<80x128xf32, #tpu.memory_space<vmem>>
    %dma_wait3A_80 = tpu.memref_slice %arg7[%multiple_of3A_74] : memref<10000xi32, #tpu.memory_space<vmem>> -> memref<80xi32, #tpu.memory_space<vmem>>
    %dma_wait3A_81 = arith.constant 0 : i32
    %dma_wait3A_82 = arith.constant 0 : i32
    %dma_wait3A_83 = tpu.memref_slice %arg2[%dma_wait3A_81, %dma_wait3A_82] : memref<10000x128xf32, #tpu.memory_space<hbm>> -> memref<10000x128xf32, #tpu.memory_space<hbm>>
    tpu.wait_indirect_dma semaphore(%arg10 : memref<!tpu.dma_semaphore, #tpu.memory_space<semaphore_mem>>) src(%dma_wait3A_83 : memref<10000x128xf32, #tpu.memory_space<hbm>>) dst(%dma_wait3A_79 : memref<80x128xf32, #tpu.memory_space<vmem>>)
    %run_scoped3A = arith.constant 0 : i32
    %run_scoped3A_84 = arith.constant 0 : i32
    "tpu.region"() ({
      %run_scoped3A_96 = tpu.sem_alloc : memref<!tpu.dma_semaphore, #tpu.memory_space<semaphore_mem>>
      %dma_start3A_97 = arith.constant 0 : i32
      %dma_start3A_98 = arith.constant 0 : i32
      %dma_start3A_99 = tpu.memref_slice %arg9[%run_scoped3A, %dma_start3A_97, %dma_start3A_98] : memref<2x80x128xf32, #tpu.memory_space<vmem>> -> memref<1x80x128xf32, #tpu.memory_space<vmem>>
      %dma_start3A_100 = tpu.memref_squeeze %dma_start3A_99 : memref<1x80x128xf32, #tpu.memory_space<vmem>> -> memref<80x128xf32, #tpu.memory_space<vmem>>
      %dma_start3A_101 = arith.constant 0 : i32
      %dma_start3A_102 = tpu.memref_slice %arg8[%run_scoped3A_84, %dma_start3A_101] : memref<2x80xi32, #tpu.memory_space<vmem>> -> memref<1x80xi32, #tpu.memory_space<vmem>>
      %dma_start3A_103 = tpu.memref_squeeze %dma_start3A_102 : memref<1x80xi32, #tpu.memory_space<vmem>> -> memref<80xi32, #tpu.memory_space<vmem>>
      %dma_start3A_104 = arith.constant 0 : i32
      %dma_start3A_105 = arith.constant 0 : i32
      %dma_start3A_106 = tpu.memref_slice %arg6[%dma_start3A_104, %dma_start3A_105] : memref<10000x128xf32, #tpu.memory_space<vmem_shared>> -> memref<10000x128xf32, #tpu.memory_space<vmem_shared>>
      tpu.enqueue_indirect_dma source(%dma_start3A_100 : memref<80x128xf32, #tpu.memory_space<vmem>>) target(%dma_start3A_106 : memref<10000x128xf32, #tpu.memory_space<vmem_shared>>) offsets(%dma_start3A_103 : memref<80xi32, #tpu.memory_space<vmem>>) semaphore(%run_scoped3A_96 : memref<!tpu.dma_semaphore, #tpu.memory_space<semaphore_mem>>) {add = true}
      %dma_wait3A_107 = arith.constant 0 : i32
      %dma_wait3A_108 = arith.constant 0 : i32
      %dma_wait3A_109 = tpu.memref_slice %arg9[%run_scoped3A, %dma_wait3A_107, %dma_wait3A_108] : memref<2x80x128xf32, #tpu.memory_space<vmem>> -> memref<1x80x128xf32, #tpu.memory_space<vmem>>
      %dma_wait3A_110 = tpu.memref_squeeze %dma_wait3A_109 : memref<1x80x128xf32, #tpu.memory_space<vmem>> -> memref<80x128xf32, #tpu.memory_space<vmem>>
      %dma_wait3A_111 = arith.constant 0 : i32
      %dma_wait3A_112 = tpu.memref_slice %arg8[%run_scoped3A_84, %dma_wait3A_111] : memref<2x80xi32, #tpu.memory_space<vmem>> -> memref<1x80xi32, #tpu.memory_space<vmem>>
      %dma_wait3A_113 = tpu.memref_squeeze %dma_wait3A_112 : memref<1x80xi32, #tpu.memory_space<vmem>> -> memref<80xi32, #tpu.memory_space<vmem>>
      %dma_wait3A_114 = arith.constant 0 : i32
      %dma_wait3A_115 = arith.constant 0 : i32
      %dma_wait3A_116 = tpu.memref_slice %arg6[%dma_wait3A_114, %dma_wait3A_115] : memref<10000x128xf32, #tpu.memory_space<vmem_shared>> -> memref<10000x128xf32, #tpu.memory_space<vmem_shared>>
      tpu.wait_indirect_dma semaphore(%run_scoped3A_96 : memref<!tpu.dma_semaphore, #tpu.memory_space<semaphore_mem>>) src(%dma_wait3A_110 : memref<80x128xf32, #tpu.memory_space<vmem>>) dst(%dma_wait3A_116 : memref<10000x128xf32, #tpu.memory_space<vmem_shared>>)
      tpu.yield
    }) : () -> ()
    %barrier3A_85 = arith.constant 0 : index
    tpu.barrier barrier_id(%barrier3A_85)
    %lt3A_86 = arith.constant 15 : i32
    %lt3A_87 = arith.cmpi slt, %arg1, %lt3A_86 : i32
    %convert_element_type3A_88 = arith.extui %lt3A_87 : i1 to i32
    %cond3A_89 = arith.constant 0 : i32
    %cond3A_90 = arith.cmpi ne, %convert_element_type3A_88, %cond3A_89 : i32
    scf.if %cond3A_90 {
      %mul3A_96 = arith.constant 624 : i32
      %mul3A_97 = arith.muli %arg1, %mul3A_96 : i32
      %mul3A_98 = arith.constant 624 : i32
      %mul3A_99 = arith.muli %arg1, %mul3A_98 : i32
      "tpu.region"() ({
        %run_scoped3A_100 = tpu.sem_alloc : memref<!tpu.dma_semaphore, #tpu.memory_space<semaphore_mem>>
        %dma_start3A_101 = arith.constant 0 : i32
        %dma_start3A_102 = tpu.memref_slice %arg5[%arg0, %mul3A_99, %dma_start3A_101] : memref<2x10000x128xf32, #tpu.memory_space<hbm>> -> memref<1x624x128xf32, #tpu.memory_space<hbm>>
        %dma_start3A_103 = tpu.memref_squeeze %dma_start3A_102 : memref<1x624x128xf32, #tpu.memory_space<hbm>> -> memref<624x128xf32, #tpu.memory_space<hbm>>
        %dma_start3A_104 = arith.constant 0 : i32
        %dma_start3A_105 = tpu.memref_slice %arg6[%mul3A_97, %dma_start3A_104] : memref<10000x128xf32, #tpu.memory_space<vmem_shared>> -> memref<624x128xf32, #tpu.memory_space<vmem_shared>>
        tpu.enqueue_dma source(%dma_start3A_105 : memref<624x128xf32, #tpu.memory_space<vmem_shared>>) target(%dma_start3A_103 : memref<624x128xf32, #tpu.memory_space<hbm>>) target_semaphore(%run_scoped3A_100 : memref<!tpu.dma_semaphore, #tpu.memory_space<semaphore_mem>>)
        %dma_wait3A_106 = arith.constant 0 : i32
        %dma_wait3A_107 = tpu.memref_slice %arg5[%arg0, %mul3A_99, %dma_wait3A_106] : memref<2x10000x128xf32, #tpu.memory_space<hbm>> -> memref<1x624x128xf32, #tpu.memory_space<hbm>>
        %dma_wait3A_108 = tpu.memref_squeeze %dma_wait3A_107 : memref<1x624x128xf32, #tpu.memory_space<hbm>> -> memref<624x128xf32, #tpu.memory_space<hbm>>
        %dma_wait3A_109 = arith.constant 0 : i32
        %dma_wait3A_110 = tpu.memref_slice %arg6[%mul3A_97, %dma_wait3A_109] : memref<10000x128xf32, #tpu.memory_space<vmem_shared>> -> memref<624x128xf32, #tpu.memory_space<vmem_shared>>
        tpu.wait_dma2 semaphore(%run_scoped3A_100 : memref<!tpu.dma_semaphore, #tpu.memory_space<semaphore_mem>>) src(%dma_wait3A_110 : memref<624x128xf32, #tpu.memory_space<vmem_shared>>) dst(%dma_wait3A_108 : memref<624x128xf32, #tpu.memory_space<hbm>>)
        tpu.yield
      }) : () -> ()
    } else {
    }
    %eq3A_91 = arith.constant 15 : i32
    %eq3A_92 = arith.cmpi eq, %arg1, %eq3A_91 : i32
    %convert_element_type3A_93 = arith.extui %eq3A_92 : i1 to i32
    %cond3A_94 = arith.constant 0 : i32
    %cond3A_95 = arith.cmpi ne, %convert_element_type3A_93, %cond3A_94 : i32
    scf.if %cond3A_95 {
      "tpu.region"() ({
        %run_scoped3A_96 = tpu.sem_alloc : memref<!tpu.dma_semaphore, #tpu.memory_space<semaphore_mem>>
        %dma_start3A_97 = arith.constant 9360 : i32
        %dma_start3A_98 = arith.constant 0 : i32
        %dma_start3A_99 = tpu.memref_slice %arg5[%arg0, %dma_start3A_97, %dma_start3A_98] : memref<2x10000x128xf32, #tpu.memory_space<hbm>> -> memref<1x640x128xf32, #tpu.memory_space<hbm>>
        %dma_start3A_100 = tpu.memref_squeeze %dma_start3A_99 : memref<1x640x128xf32, #tpu.memory_space<hbm>> -> memref<640x128xf32, #tpu.memory_space<hbm>>
        %dma_start3A_101 = arith.constant 9360 : i32
        %dma_start3A_102 = arith.constant 0 : i32
        %dma_start3A_103 = tpu.memref_slice %arg6[%dma_start3A_101, %dma_start3A_102] : memref<10000x128xf32, #tpu.memory_space<vmem_shared>> -> memref<640x128xf32, #tpu.memory_space<vmem_shared>>
        tpu.enqueue_dma source(%dma_start3A_103 : memref<640x128xf32, #tpu.memory_space<vmem_shared>>) target(%dma_start3A_100 : memref<640x128xf32, #tpu.memory_space<hbm>>) target_semaphore(%run_scoped3A_96 : memref<!tpu.dma_semaphore, #tpu.memory_space<semaphore_mem>>)
        %dma_wait3A_104 = arith.constant 9360 : i32
        %dma_wait3A_105 = arith.constant 0 : i32
        %dma_wait3A_106 = tpu.memref_slice %arg5[%arg0, %dma_wait3A_104, %dma_wait3A_105] : memref<2x10000x128xf32, #tpu.memory_space<hbm>> -> memref<1x640x128xf32, #tpu.memory_space<hbm>>
        %dma_wait3A_107 = tpu.memref_squeeze %dma_wait3A_106 : memref<1x640x128xf32, #tpu.memory_space<hbm>> -> memref<640x128xf32, #tpu.memory_space<hbm>>
        %dma_wait3A_108 = arith.constant 9360 : i32
        %dma_wait3A_109 = arith.constant 0 : i32
        %dma_wait3A_110 = tpu.memref_slice %arg6[%dma_wait3A_108, %dma_wait3A_109] : memref<10000x128xf32, #tpu.memory_space<vmem_shared>> -> memref<640x128xf32, #tpu.memory_space<vmem_shared>>
        tpu.wait_dma2 semaphore(%run_scoped3A_96 : memref<!tpu.dma_semaphore, #tpu.memory_space<semaphore_mem>>) src(%dma_wait3A_110 : memref<640x128xf32, #tpu.memory_space<vmem_shared>>) dst(%dma_wait3A_107 : memref<640x128xf32, #tpu.memory_space<hbm>>)
        tpu.yield
      }) : () -> ()
    } else {
    }
    return
  }
}

module attributes {stable_mosaic.version = 14 : i64} {
  func.func @_mlp_kernel(%arg0: i32, %arg1: memref<1x1000x128xf32, #tpu.memory_space<vmem>>, %arg2: memref<1x1000x128xf32, #tpu.memory_space<vmem>>, %arg3: memref<1000x128xf32, #tpu.memory_space<vmem>>, %arg4: memref<128x128xf32, #tpu.memory_space<vmem>>, %arg5: memref<1x128xf32, #tpu.memory_space<vmem>>, %arg6: memref<128x128xf32, #tpu.memory_space<vmem>>, %arg7: memref<1x128xf32, #tpu.memory_space<vmem>>, %arg8: memref<1000x128xf32, #tpu.memory_space<vmem>>) attributes {dimension_semantics = [#tpu.dimension_semantics<arbitrary>], iteration_bounds = array<i64: 10>, scalar_prefetch = 0 : i64, scratch_operands = 0 : i64, tpu.core_type = #tpu.core_type<tc>, window_params = [{transform_indices = @transform_0, window_bounds = array<i64: 1, 1000, 128>}, {transform_indices = @transform_1, window_bounds = array<i64: 1, 1000, 128>}, {transform_indices = @transform_2, window_bounds = array<i64: 1000, 128>}, {pipeline_mode = #tpu.pipeline_mode<synchronous>, transform_indices = @transform_3, window_bounds = array<i64: 128, 128>}, {pipeline_mode = #tpu.pipeline_mode<synchronous>, transform_indices = @transform_4, window_bounds = array<i64: 1, 128>}, {pipeline_mode = #tpu.pipeline_mode<synchronous>, transform_indices = @transform_5, window_bounds = array<i64: 128, 128>}, {pipeline_mode = #tpu.pipeline_mode<synchronous>, transform_indices = @transform_6, window_bounds = array<i64: 1, 128>}, {transform_indices = @transform_7, window_bounds = array<i64: 1000, 128>}]} {
    %get3A = arith.constant 0 : index
    %get3A_0 = arith.constant 0 : index
    %get3A_1 = arith.constant 0 : index
    %get3A_2 = vector.load %arg1[%get3A, %get3A_0, %get3A_1] : memref<1x1000x128xf32, #tpu.memory_space<vmem>>, vector<1x1000x128xf32>
    %get3A_3 = vector.shape_cast %get3A_2 : vector<1x1000x128xf32> to vector<1000x128xf32>
    %get3A_4 = arith.constant 0 : index
    %get3A_5 = arith.constant 0 : index
    %get3A_6 = arith.constant 0 : index
    %get3A_7 = vector.load %arg2[%get3A_4, %get3A_5, %get3A_6] : memref<1x1000x128xf32, #tpu.memory_space<vmem>>, vector<1x1000x128xf32>
    %get3A_8 = vector.shape_cast %get3A_7 : vector<1x1000x128xf32> to vector<1000x128xf32>
    %add3A = arith.addf %get3A_3, %get3A_8 : vector<1000x128xf32>
    %get3A_9 = arith.constant 0 : index
    %get3A_10 = arith.constant 0 : index
    %get3A_11 = vector.load %arg3[%get3A_9, %get3A_10] : memref<1000x128xf32, #tpu.memory_space<vmem>>, vector<1000x128xf32>
    %sub3A = arith.subf %add3A, %get3A_11 : vector<1000x128xf32>
    %get3A_12 = arith.constant 0 : index
    %get3A_13 = arith.constant 0 : index
    %get3A_14 = vector.load %arg4[%get3A_12, %get3A_13] : memref<128x128xf32, #tpu.memory_space<vmem>>, vector<128x128xf32>
    %dot_general3A = arith.constant dense<0.000000e+00> : vector<1000x128xf32>
    %dot_general3A_15 = tpu.matmul %sub3A, %get3A_14, %dot_general3A {dimension_numbers = #tpu.dot_dimension_numbers<[1], [0], [0], [1], [0, 0, 1, 1], [], []>, transpose_lhs_hint = false} : vector<1000x128xf32>, vector<128x128xf32>, vector<1000x128xf32> -> vector<1000x128xf32>
    %get3A_16 = arith.constant 0 : index
    %get3A_17 = arith.constant 0 : index
    %get3A_18 = vector.load %arg5[%get3A_16, %get3A_17] : memref<1x128xf32, #tpu.memory_space<vmem>>, vector<1x128xf32>
    %add3A_19 = vector.broadcast %get3A_18 : vector<1x128xf32> to vector<1000x128xf32>
    %add3A_20 = arith.addf %dot_general3A_15, %add3A_19 : vector<1000x128xf32>
    %max3A = arith.constant 0.000000e+00 : f32
    %max3A_21 = vector.broadcast %max3A : f32 to vector<1000x128xf32>
    %max3A_22 = arith.maximumf %add3A_20, %max3A_21 : vector<1000x128xf32>
    %get3A_23 = arith.constant 0 : index
    %get3A_24 = arith.constant 0 : index
    %get3A_25 = vector.load %arg6[%get3A_23, %get3A_24] : memref<128x128xf32, #tpu.memory_space<vmem>>, vector<128x128xf32>
    %dot_general3A_26 = arith.constant dense<0.000000e+00> : vector<1000x128xf32>
    %dot_general3A_27 = tpu.matmul %max3A_22, %get3A_25, %dot_general3A_26 {dimension_numbers = #tpu.dot_dimension_numbers<[1], [0], [0], [1], [0, 0, 1, 1], [], []>, transpose_lhs_hint = false} : vector<1000x128xf32>, vector<128x128xf32>, vector<1000x128xf32> -> vector<1000x128xf32>
    %get3A_28 = arith.constant 0 : index
    %get3A_29 = arith.constant 0 : index
    %get3A_30 = vector.load %arg7[%get3A_28, %get3A_29] : memref<1x128xf32, #tpu.memory_space<vmem>>, vector<1x128xf32>
    %add3A_31 = vector.broadcast %get3A_30 : vector<1x128xf32> to vector<1000x128xf32>
    %add3A_32 = arith.addf %dot_general3A_27, %add3A_31 : vector<1000x128xf32>
    %swap3A = arith.constant 0 : index
    %swap3A_33 = arith.constant 0 : index
    %swap3A_34 = vector.load %arg8[%swap3A, %swap3A_33] : memref<1000x128xf32, #tpu.memory_space<vmem>>, vector<1000x128xf32>
    tpu.vector_store %arg8[%swap3A, %swap3A_33], %add3A_32 {strides = array<i32>} : memref<1000x128xf32, #tpu.memory_space<vmem>>, vector<1000x128xf32>,
    return
  }
  func.func @transform_0(%arg0: i32) -> (i32, i32, i32) {
    %c0_i32 = arith.constant 0 : i32
    %c0_i32_0 = arith.constant 0 : i32
    %c0_i32_1 = arith.constant 0 : i32
    return %c0_i32, %arg0, %c0_i32_0 : i32, i32, i32
  }
  func.func @transform_1(%arg0: i32) -> (i32, i32, i32) {
    %c1_i32 = arith.constant 1 : i32
    %c0_i32 = arith.constant 0 : i32
    %c0_i32_0 = arith.constant 0 : i32
    return %c1_i32, %arg0, %c0_i32 : i32, i32, i32
  }
  func.func @transform_2(%arg0: i32) -> (i32, i32) {
    %c0_i32 = arith.constant 0 : i32
    %c0_i32_0 = arith.constant 0 : i32
    return %arg0, %c0_i32 : i32, i32
  }
  func.func @transform_3(%arg0: i32) -> (i32, i32) {
    %c0_i32 = arith.constant 0 : i32
    %c0_i32_0 = arith.constant 0 : i32
    %c0_i32_1 = arith.constant 0 : i32
    return %c0_i32, %c0_i32_0 : i32, i32
  }
  func.func @transform_4(%arg0: i32) -> (i32, i32) {
    %c0_i32 = arith.constant 0 : i32
    %c0_i32_0 = arith.constant 0 : i32
    %c0_i32_1 = arith.constant 0 : i32
    return %c0_i32, %c0_i32_0 : i32, i32
  }
  func.func @transform_5(%arg0: i32) -> (i32, i32) {
    %c0_i32 = arith.constant 0 : i32
    %c0_i32_0 = arith.constant 0 : i32
    %c0_i32_1 = arith.constant 0 : i32
    return %c0_i32, %c0_i32_0 : i32, i32
  }
  func.func @transform_6(%arg0: i32) -> (i32, i32) {
    %c0_i32 = arith.constant 0 : i32
    %c0_i32_0 = arith.constant 0 : i32
    %c0_i32_1 = arith.constant 0 : i32
    return %c0_i32, %c0_i32_0 : i32, i32
  }
  func.func @transform_7(%arg0: i32) -> (i32, i32) {
    %c0_i32 = arith.constant 0 : i32
    %c0_i32_0 = arith.constant 0 : i32
    return %arg0, %c0_i32 : i32, i32
  }
}

</mosaic_0001>

<sc_bundles>
// kernel: kernel.4.cloned.1.call-start
scs
__scs_entry_jumppad:
0x0: {  	(pc) =	sbr.rel $0x88, $3  }
0x1: {  	(tag) =	ssettag $0x0;
	lr =	simm.s32 $0x1  }
0x2: {  	[smem:$0x3F9B] =	sst lr;
	_ =	strace $0xD0000000  }
0x3: {  	_ = 	snop  }
0x4: {  	_ = 	snop  }
0x5: {  	_ = 	snop  }
0x6: {  	_ = 	snop  }
0x7: {  	_ = 	snop  }
__scs_overlays_trampoline_lowered:
0x8: {  	[smem:$0x3FAA] =	sst s0  }
0x9: {  	[smem:$0x3FAB] =	sst s1  }
0xa: {  	[smem:$0x3FAC] =	sst s2  }
0xb: {  	[smem:$0x3FAD] =	sst s3  }
0xc: {  	[smem:$0x3FAE] =	sst s4  }
0xd: {  	[smem:$0x3FAF] =	sst s5  }
0xe: {  	[smem:$0x3FB0] =	sst s6  }
0xf: {  	[smem:$0x3FB1] =	sst s7  }
0x10: {  	[smem:$0x3FB2] =	sst s8  }
0x11: {  	[smem:$0x3FB3] =	sst s9;
	s0 =	simm.s32 @!p0 $0x0  }
0x12: {  	s1 =	sld [smem:$0x3F99];
	s0 =	simm.s32 @p0 $0x1  }
0x13: {  	[smem:$0x3FB4] =	sst s0;
	s0 =	simm.s32 @!p1 $0x0  }
0x14: {  	s2 =	sld [smem:$0x3F98];
	s0 =	simm.s32 @p1 $0x1  }
0x15: {  	[smem:$0x3FB5] =	sst s0;
	s0 =	simm.s32 @!p2 $0x0  }
0x16: {  	s3 =	sld [smem:$0x3FDB];
	s0 =	simm.s32 @p2 $0x1  }
0x17: {  	s4 =	simm.s32 $0x1BF5;
	[smem:$0x3FB7] =	sst s0  }
0x18: {  	s0 =	sld [smem:$0x3F9A];
	_ =	swait.ge [sflag:s4], $0x0  }
0x19: {  	s7 =	sld [smem:$0x3F9B]  }
0x1a: {  	s8 =	sadd.s32 $0xFFFFE003, lr  }
0x1b: {  	s9 =	sadd.s32 $0xFFFFFEF7, lr;
	s5 =	simm.s32 $0xFFFFFFFF;
	p2 =	slt.u32 s8, $0xFFFFF086  }
0x1c: {  	p1 =	slt.u32 s9, $0xF7A;
	s5 =	simm.s32 @!p2 $0x0  }
0x1d: {  	s5 =	simm.s32 @p1 $0x1;
	p0 =	seq.s32 s7, s2  }
0x1e: {  	s7 =	smul.u32 @!p0 $0xF7A, s2;
	p2 =	seq.s32 @!p0 s5, $0x0  }
0x1f: {  	s9 =	smul.u32 $0xF7A, s1;
	s8 =	simm.s32 @!p0 $0x1BF5;
	p2 =	por !p2, p0  }
0x20: {  	[sflag:s8] =	ssyncset.s32 @!p0 $0xFFFFF086;
	s6 =	sadd.s32 @!p0 s3, s7;
	s7 =	simm.s32 @!p0 $0x108  }
0x21: {  	s3 =	sadd.s32 s3, s9;
	s6 =	sadd.s32 @!p0 $0x88, s6;
	s7 =	simm.s32 @p2 $0x1082  }
0x22: {  	[simem:s7], [sflag:s8] =	dma.local @!p0 [hbm:s6], $0xF7A  }
0x23: {  	s9 =	sor.u32 $0xD0000000, s2;
	s6 =	simm.s32 $0x108;
	_ =	swait.ge @!p0 [sflag:s8], $0x0  }
0x24: {  	s3 =	sadd.s32 $0x88, s3;
	s6 =	simm.s32 @!p1 $0x1082;
	[sflag:s4] =	ssyncset.s32 $0xFFFFF086  }
0x25: {  	[simem:s6], [sflag:s4] =	dma.local [hbm:s3], $0xF7A  }
0x26: {  	[smem:$0x3F9B] =	sst s1;
	(tag) =	ssettag s2;
	_ =	strace s9  }
0x27: {  	s1 =	sld [smem:$0x3FAB]  }
0x28: {  	s2 =	sld [smem:$0x3FAC]  }
0x29: {  	s4 =	sld [smem:$0x3FAE]  }
0x2a: {  	p0 =	seq.s32 s5, $0x0;
	s5 =	sld [smem:$0x3FAF]  }
0x2b: {  	s6 =	sld [smem:$0x3FB0]  }
0x2c: {  	s7 =	sld [smem:$0x3FB1]  }
0x2d: {  	s3 =	simm.s32 $0x108;
	s8 =	sld [smem:$0x3FB2]  }
0x2e: {  	s3 =	simm.s32 @!p0 $0x1082;
	s9 =	sld [smem:$0x3FB3]  }
0x2f: {  	lr =	sadd.s32 s0, s3;
	s0 =	sld [smem:$0x3FAA]  }
0x30: {  	s3 =	sld [smem:$0x3FAD]  }
0x31: {  	[smem:$0x3FB6] =	sst s10  }
0x32: {  	s10 =	sld [smem:$0x3FB4];
	_ =	sdelay $0x3  }
0x33: {  	p0 =	seq.s32 s10, $0x1;
	s10 =	sld [smem:$0x3FB6];
	_ =	sdelay $0x3  }
0x34: {  	[smem:$0x3FB6] =	sst s10  }
0x35: {  	s10 =	sld [smem:$0x3FB5];
	_ =	sdelay $0x3  }
0x36: {  	p1 =	seq.s32 s10, $0x1;
	s10 =	sld [smem:$0x3FB6];
	_ =	sdelay $0x3  }
0x37: {  	[smem:$0x3FB6] =	sst s10  }
0x38: {  	s10 =	sld [smem:$0x3FB7]  }
0x39: {  	_ = 	snop;
	(pc) =	sbr.ind lr, $3  }
0x3a: {  	_ = 	snop  }
0x3b: {  	_ = 	snop  }
0x3c: {  	p2 =	seq.s32 s10, $0x1;
	s10 =	sld [smem:$0x3FB6]  }
0x3d: {  	_ =	shalt  }
0x3e: {  	_ =	shalt  }
0x3f: {  	_ =	shalt  }
0x40: {  	_ =	shalt  }
0x41: {  	_ =	shalt  }
0x42: {  	_ =	shalt  }
0x43: {  	_ =	shalt  }
0x44: {  	_ =	shalt  }
0x45: {  	_ =	shalt  }
0x46: {  	_ =	shalt  }
0x47: {  	_ =	shalt  }
0x48: {  	_ =	shalt  }
0x49: {  	_ =	shalt  }
0x4a: {  	_ =	shalt  }
0x4b: {  	_ =	shalt  }
0x4c: {  	_ =	shalt  }
0x4d: {  	_ =	shalt  }
0x4e: {  	_ =	shalt  }
0x4f: {  	_ =	shalt  }
0x50: {  	_ =	shalt  }
0x51: {  	_ =	shalt  }
0x52: {  	_ =	shalt  }
0x53: {  	_ =	shalt  }
0x54: {  	_ =	shalt  }
0x55: {  	_ =	shalt  }
0x56: {  	_ =	shalt  }
0x57: {  	_ =	shalt  }
0x58: {  	_ =	shalt  }
0x59: {  	_ =	shalt  }
0x5a: {  	_ =	shalt  }
0x5b: {  	_ =	shalt  }
0x5c: {  	_ =	shalt  }
0x5d: {  	_ =	shalt  }
0x5e: {  	_ =	shalt  }
0x5f: {  	_ =	shalt  }
0x60: {  	_ =	shalt  }
0x61: {  	_ =	shalt  }
0x62: {  	_ =	shalt  }
0x63: {  	_ =	shalt  }
0x64: {  	_ =	shalt  }
0x65: {  	_ =	shalt  }
0x66: {  	_ =	shalt  }
0x67: {  	_ =	shalt  }
0x68: {  	_ =	shalt  }
0x69: {  	_ =	shalt  }
0x6a: {  	_ =	shalt  }
0x6b: {  	_ =	shalt  }
0x6c: {  	_ =	shalt  }
0x6d: {  	_ =	shalt  }
0x6e: {  	_ =	shalt  }
0x6f: {  	_ =	shalt  }
0x70: {  	_ =	shalt  }
0x71: {  	_ =	shalt  }
0x72: {  	_ =	shalt  }
0x73: {  	_ =	shalt  }
0x74: {  	_ =	shalt  }
0x75: {  	_ =	shalt  }
0x76: {  	_ =	shalt  }
0x77: {  	_ =	shalt  }
0x78: {  	_ =	shalt  }
0x79: {  	_ =	shalt  }
0x7a: {  	_ =	shalt  }
0x7b: {  	_ =	shalt  }
0x7c: {  	_ =	shalt  }
0x7d: {  	_ =	shalt  }
0x7e: {  	_ =	shalt  }
0x7f: {  	_ =	shalt  }
0x80: {  	_ =	shalt  }
0x81: {  	_ =	shalt  }
0x82: {  	_ =	shalt  }
0x83: {  	_ =	shalt  }
0x84: {  	_ =	shalt  }
0x85: {  	_ =	shalt  }
0x86: {  	_ =	shalt  }
0x87: {  	_ =	shalt  }
.Lfunc_end0:
.L_simem_size_0:
called_computation_lowered:
.L_overlay_start_0:
0x88: {  	s2 =	sld [smem:$0x3FD9]  }
0x89: {  	s3 =	sld [smem:$0x3FFE];
	_ =	sdelay $0x1  }
0x8a: {  	s1 =	srdreg.scid  }
0x8b: {  	s0 =	sand.u32 $0x1, s1  }
0x8c: {  	s17 =	sshll.u32 s0, $0xA;
	s2 =	sadd.s32 s3, s2  }
0x8d: {  	s2 =	sadd.s32 s2, s17  }
0x8e: {  	[smem:$0x3FC2] =	sst s2  }
0x8f: {  	_ = 	snop  }
0x90: {  	s2 =	sld [smem:$0x3FC9]  }
0x91: {  	s18 =	sld [smem:$0x3FD0];
	(tm) =	ssettm $0x1  }
0x92: {  	s4 =	sld [smem:$0x3FFB];
	_ =	sdelay $0x3  }
0x93: {  	_ =	strace s4  }
0x94: {  	s4 =	sld [smem:$0x3FFC];
	_ =	sdelay $0x3  }
0x95: {  	_ =	strace s4  }
0x96: {  	s4 =	sld [smem:$0x3FFD];
	_ =	sdelay $0x3  }
0x97: {  	_ =	strace s4  }
0x98: {  	_ =	strace $0x8FFFFFFF  }
0x99: {  	s19 =	sld [smem:$0x3FDB];
	_ =	sdelay $0x1  }
0x9a: {  	s5 =	simm.s32 $_scs_section_size  }
0x9b: {  	s6 =	simm.s32 $_size__tile_overlayer_lowered;
	s7 =	simm.s32 $_tile_overlayer_lowered  }
0x9c: {  	s22 =	simm.s32 $0x1BFF;
	s21 =	sshll.u32 s7, $0x1;
	s4 =	sadd.s32 s5, s19  }
0x9d: {  	s8 =	simm.s32 $0x0;
	s20 =	sshll.u32 s6, $0x1;
	s6 =	sadd.s32 s21, s4  }
0x9e: {  	[timem:s8], [sflag:s22] =	dma.local [hbm:s6], s20  }
0x9f: {  	_ =	swait.ge [sflag:s22], s20  }
0xa0: {  	s5 =	ssub.s32 $0x0, s20;
	[sflag:s22] =	ssyncset.done $0x0  }
0xa1: {  	[sflag:s22] =	ssyncadd.s32 s5;
	_ =	sdelay $0x1  }
0xa2: {  	s23 =	simm.s32 $0x1B8B  }
0xa3: {  	_ =	swait.ge [sflag:s23], $0x1  }
0xa4: {  	[sflag:s23] =	ssyncset.done $0x0  }
0xa5: {  	s25 =	simm.s32 $0x1B8E;
	s24 =	sld [smem:$0x3FFE];
	[sflag:s23] =	ssyncadd.s32 $0xFFFFFFFF  }
0xa6: {  	s26 =	simm.s32 $execute0_lowered;
	[smem:$0x3FD2] =	sst s25  }
0xa7: {  	s6 =	sshll.u32 s26, $0x1;
	_ =	strace $0x80000046;
	[dreg:$0x1] =	wrdreg $0xFFFFFFFF  }
0xa8: {  	s28 =	simm.s32 $_size_execute0_lowered;
	s4 =	sadd.s32 s4, s6;
	[dreg:$0x0] =	wrdreg $0x0  }
0xa9: {  	s6 =	sshll.u32 s28, $0x1;
	[dreg:$0x2] =	wrdreg s4  }
0xaa: {  	[dreg:$0x3] =	wrdreg s6  }
0xab: {  	[dreg:$0x4] =	wrdreg $0xC0  }
0xac: {  	_ =	task [dreg:s8], $0x5FFFF  }
0xad: {  	[dreg:$0x1] =	wrdreg $0xFFFFFFFF  }
0xae: {  	[dreg:$0x0] =	wrdreg $0x60  }
0xaf: {  	[dreg:$0x2] =	wrdreg s2  }
0xb0: {  	[dreg:$0x3] =	wrdreg s24  }
0xb1: {  	[dreg:$0x4] =	wrdreg s18  }
0xb2: {  	[dreg:$0x5] =	wrdreg $0x0  }
0xb3: {  	[dreg:$0x6] =	wrdreg $0x9  }
0xb4: {  	_ =	task.clear_ibuf [dreg:s8], $0x7FFFF;
	_ =	strace $0x90000046  }
0xb5: {  	s29 =	simm.s32 $0x9;
	_ =	strace $0x80000048  }
0xb6: {  	_ =	swait.ge [sflag:s29], $0x1  }
0xb7: {  	[sflag:s29] =	ssyncadd.s32 $0xFFFFFFFF  }
0xb8: {  	_ =	strace $0x90000048  }
0xb9: {  	_ =	sfence  }
0xba: {  	s30 =	sld [smem:$0x0];
	_ =	sdelay $0x2  }
0xbb: {  	s31 =	sshll.u32 s1, $0xD;
	s1 =	sshrl.u32 s1, $0x2  }
0xbc: {  	s3 =	sand.u32 $0x4000, s31;
	s1 =	sadd.s32 s1, s30  }
0xbd: {  	s0 =	sor.u32 s3, s0;
	s1 =	sshll.u32 s1, $0x11  }
0xbe: {  	s0 =	sor.u32 s1, s0  }
0xbf: {  	s0 =	sadd.s32 $0x8F2B, s0  }
0xc0: {  	[sflag:s0] =	ssyncadd.remote.s32 $0x1  }
0xc1: {  	_ =	sfence.sel $0xFFFF  }
0xc2: {  	[dreg:$0x0] =	wrdreg $0xFFFFFFFF;
	(pc) =	sbr.abs _section_cstart, $3  }
0xc3: {  	[dreg:$0x1] =	wrdreg $0xFFFFFFFF  }
0xc4: {  	_ =	task.clear_ibuf [dreg:s8], $0x2FFFF;
	_ =	strace $0x9FFFFFFF  }
0xc5: {  	(tm) =	ssettm $0x7FFFFFFF  }
tec
execute0_lowered:
.L_overlay_start_1:
0x0: {  	(tag) =	ssettag $0x1  }
0x1: {  	s0 =	srdreg.scid;
	s1 =	rddreg [dreg:$0x0]  }
0x2: {  	s12 =	stileid.u32;
	s6 =	rddreg [dreg:$0x1]  }
0x3: {  	s3 =	rddreg [dreg:$0x2];
	s28 =	simm.s32 $0x18900;
	s29 =	simm.s32 $0x3  }
0x4: {  	s30 =	simm.s32 $0x1;
	s31 =	simm.s32 $0x4;
	s10 =	smul.u32 $0x4E000, s12  }
0x5: {  	s18 =	simm.s32 $0x0;
	s0 =	sand.u32 $0x1, s0;
	s11 =	smul.u32 $0x2700, s12  }
0x6: {  	s2 =	sshll.u32 s12, $0x1;
	s4 =	sshrl.u32 s12, $0x2;
	s22 =	smul.u32 $0x13800, s12  }
0x7: {  	s26 =	sadd.s32 $0x24900, s1;
	p0 =	seq.s32 s12, $0xF;
	s2 =	sor.u32 s0, s2  }
0x8: {  	s7 =	smul.u32 $0x13C00, s4;
	s4 =	rddreg [dreg:$0x3];
	s20 =	ssub.s32 $0x2, s0  }
0x9: {  	s0 =	smul.u32 $0x138800, s0;
	s5 =	sshll.u32 s2, $0x7;
	s9 =	sshrl.u32 s20, $0x1  }
0xa: {  	s21 =	sshrl.u32 s10, $0x2;
	s23 =	sadd.s32 s1, s11;
	s24 =	sadd.s32 $0x124800, s4  }
0xb: {  	s8 =	sand.u32 $0x380, s5;
	s5 =	simm.s32 $0x0;
	s9 =	ssub.s32 s20, s9  }
0xc: {  	s25 =	sadd.s32 s22, s0;
	s0 =	sshrl.u32 s0, $0x3;
	[smem:$0x7FF] =	sst s5  }
0xd: {  	s20 =	simm.s32 $0x13880;
	_ =	strace $0x80000047;
	[dreg:$0x8] =	wrdreg s23  }
0xe: {  	s22 =	simm.s32 $0x16000;
	s7 =	sor.u32 s7, s8;
	[dreg:$0x9] =	wrdreg s24  }
0xf: {  	s16 =	smax.u32 s9, $0x1;
	s7 =	sshrl.u32 s7, $0x3;
	[dreg:$0xa] =	wrdreg s26  }
0x10: {  	s23 =	simm.s32 $0x50;
	s7 =	sadd.s32 s7, s6;
	s6 =	sadd.s32 $0xAC00, s6  }
0x11: {  	s24 =	simm.s32 $0x16100;
	s7 =	sadd.s32 $0xE00, s7;
	s0 =	sadd.s32 s6, s0  }
0x12: {  	[dreg:$0x5] =	wrdreg s7;
	s7 =	sshll.u32 s2, $0xE;
	s2 =	sshll.u32 s2, $0xB  }
0x13: {  	s15 =	sadd.s32 $0x24900, s0;
	s8 =	sadd.s32 s3, s2;
	s2 =	sadd.s32 s21, s4  }
0x14: {  	s21 =	simm.s32 $0x5;
	s13 =	sadd.s32 $0x10, s8;
	[dreg:$0x7] =	wrdreg s2  }
0x15: {  	s2 =	sshrl.u32 s25, $0x3;
	s17 =	sadd.s32 $0x7C0, s8;
	s25 =	simm.s32 $0x16080  }
0x16: {  	[dreg:$0x6] =	wrdreg s13;
	s14 =	sadd.s32 s6, s2;
	s2 =	simm.s32 $0x2  }
.LBB2_1:
0x17: {  	s0 =	rddreg [dreg:$0x5];
	s6 =	simm.s32 $0x80;
	s9 =	simm.s32 $0x400  }
0x18: {  	[tilespmem:s20], [sflag:$0x5] =	stream.strided.gather [hbm4b:s0+s6], $0x2780, s9, s6, $0x38;
	[tilespmem:$0x1B100] =	vst v63  }
0x19: {  	_ =	swait.ge [sflag:s21], $0x2780  }
0x1a: {  	[sflag:s21] =	ssyncset.done $0x0  }
0x1b: {  	[sflag:s21] =	ssyncadd.s32 $0xFFFFD880  }
0x1c: {  	[tilespmem:s22], [sflag:$0x3] =	stream.linear.gather [hbm4b:s8+s5], $0x80, $0x38;
	[tilespmem:$0x1B100] =	vst v63  }
0x1d: {  	_ = 	snop  }
0x1e: {  	[tilespmem:s24], [sflag:$0x1] =	stream.indirect.gather [hbm4b:s1+s23], $0x80, s20, s23, $0xb8;
	[tilespmem:$0x1B100] =	vst v63  }
0x1f: {  	s26 =	rddreg [dreg:$0x6]  }
0x20: {  	[tilespmem:s25], [sflag:$0x4] =	stream.linear.gather [hbm4b:s26+s5], $0x80, $0x38;
	[tilespmem:$0x1B100] =	vst v63  }
0x21: {  	s6 =	simm.s32 $0x138D0;
	s0 =	rddreg [dreg:$0x9]  }
0x22: {  	[tilespmem:s28], [sflag:$0x2] =	stream.indirect.gather [hbm4b:s1+s23], $0x80, s6, s23, $0xb8;
	[tilespmem:$0x1B100] =	vst v63  }
0x23: {  	s19 =	sshrl.u32 @p0 s0, $0x3;
	s0 =	simm.s32 @p0 $0x1FC5;
	s6 =	rddreg [dreg:$0xa]  }
0x24: {  	[spmem:s19], [sflag:s0] =	dma.local @p0 [hbm:s6], $0x2800  }
0x25: {  	s0 =	simm.s32 @p0 $0x5  }
0x26: {  	_ =	swait.ge @p0 [sflag:s0], $0x2800  }
0x27: {  	s6 =	stileid.u32;
	[sflag:s0] =	ssyncset.done @p0 $0x0  }
0x28: {  	s6 =	sshll.u32 @!p0 s6, $0x6;
	[sflag:s0] =	ssyncadd.s32 @p0 $0xFFFFD800;
	s0 =	rddreg [dreg:$0x7]  }
0x29: {  	s26 =	sor.u32 @!p0 $0x1C05, s6;
	s6 =	rddreg [dreg:$0x8];
	s0 =	sshrl.u32 @!p0 s0, $0x3  }
0x2a: {  	[spmem:s0], [sflag:s26] =	dma.local @!p0 [hbm:s6], $0x2700  }
0x2b: {  	s6 =	simm.s32 @!p0 $0x5  }
0x2c: {  	_ =	swait.ge @!p0 [sflag:s6], $0x2700  }
0x2d: {  	[sflag:s6] =	ssyncset.done @!p0 $0x0  }
0x2e: {  	[sflag:s6] =	ssyncadd.s32 @!p0 $0xFFFFD900  }
0x2f: {  	[bflag:$0x0] =	sbarrier.arrive $0xFFFF  }
0x30: {  	_ =	swait.ge [sflag:s29], $0x80  }
0x31: {  	[sflag:s29] =	ssyncset.done $0x0  }
0x32: {  	[sflag:s29] =	ssyncadd.s32 $0xFFFFFF80  }
0x33: {  	s9 =	simm.s32 $0x100;
	_ =	swait.ge [sflag:s30], $0x2800  }
0x34: {  	s10 =	sand.u32 $0x7C00, s9;
	[sflag:s30] =	ssyncset.done $0x0  }
0x35: {  	s6 =	sand.u32 $0x300, s9;
	s9 =	sadd.s32 s7, s10;
	[sflag:s30] =	ssyncadd.s32 $0xFFFFD800  }
0x36: {  	[spmem:s4] =	stream.indirect.scatter.add.f32 [tilespmem:s24], [sflag:$0x5], $0x80, s22, s23, $0xb8;
	[tilespmem:$0x1B100] =	vst v63  }
0x37: {  	s6 =	sor.u32 s6, s9;
	_ =	swait.ge [sflag:s21], $0x2800  }
0x38: {  	s6 =	sshrl.u32 s6, $0x3;
	[sflag:s21] =	ssyncset.done $0x0  }
0x39: {  	s6 =	sadd.s32 s3, s6;
	[sflag:s21] =	ssyncadd.s32 $0xFFFFD800  }
0x3a: {  	[tilespmem:s22], [sflag:$0x3] =	stream.linear.gather [hbm4b:s6+s5], $0x80, $0x38;
	[tilespmem:$0x1B100] =	vst v63  }
0x3b: {  	s11 =	simm.s32 $0x13920  }
0x3c: {  	[tilespmem:s24], [sflag:$0x1] =	stream.indirect.gather [hbm4b:s1+s23], $0x80, s11, s23, $0xb8;
	[tilespmem:$0x1B100] =	vst v63  }
0x3d: {  	_ =	swait.ge [sflag:s31], $0x80  }
0x3e: {  	[sflag:s31] =	ssyncset.done $0x0  }
0x3f: {  	[sflag:s31] =	ssyncadd.s32 $0xFFFFFF80  }
0x40: {  	s12 =	simm.s32 $0x180;
	_ =	swait.ge [sflag:s2], $0x2800  }
0x41: {  	s13 =	sand.u32 $0x7C00, s12;
	[sflag:s2] =	ssyncset.done $0x0  }
0x42: {  	s9 =	sadd.s32 s7, s13;
	s6 =	sand.u32 $0x380, s12;
	[sflag:s2] =	ssyncadd.s32 $0xFFFFD800  }
0x43: {  	[spmem:s4] =	stream.indirect.scatter.add.f32 [tilespmem:s28], [sflag:$0x5], $0x80, s25, s23, $0xb8;
	[tilespmem:$0x1B100] =	vst v63  }
0x44: {  	s6 =	sor.u32 s6, s9;
	_ =	swait.ge [sflag:s21], $0x2800  }
0x45: {  	s6 =	sshrl.u32 s6, $0x3;
	[sflag:s21] =	ssyncset.done $0x0  }
0x46: {  	s6 =	sadd.s32 s3, s6;
	[sflag:s21] =	ssyncadd.s32 $0xFFFFD800  }
0x47: {  	[tilespmem:s25], [sflag:$0x4] =	stream.linear.gather [hbm4b:s6+s5], $0x80, $0x38;
	[tilespmem:$0x1B100] =	vst v63  }
0x48: {  	s10 =	simm.s32 $0x139C0;
	s9 =	simm.s32 $0x13970;
	s6 =	simm.s32 $0x280  }
.LBB2_2:
0x49: {  	s11 =	sadd.s32 $0x50, s10  }
0x4a: {  	p1 =	sne.s32 s6, $0x3D80;
	s12 =	smov.u32 s6;
	s6 =	sadd.s32 $0x100, s6  }
0x4b: {  	[tilespmem:s28], [sflag:$0x2] =	stream.indirect.gather [hbm4b:s1+s23], $0x80, s9, s23, $0xb8;
	[tilespmem:$0x1B100] =	vst v63  }
0x4c: {  	s9 =	smov.u32 s11;
	_ =	swait.ge [sflag:s29], $0x80  }
0x4d: {  	[sflag:s29] =	ssyncset.done $0x0  }
0x4e: {  	[sflag:s29] =	ssyncadd.s32 $0xFFFFFF80  }
0x4f: {  	_ =	swait.ge [sflag:s30], $0x2800  }
0x50: {  	s11 =	sadd.s32 $0xFFFFFF80, s12;
	[sflag:s30] =	ssyncset.done $0x0  }
0x51: {  	s13 =	sand.u32 $0x7C00, s11;
	s11 =	sand.u32 $0x300, s11;
	[sflag:s30] =	ssyncadd.s32 $0xFFFFD800  }
0x52: {  	[spmem:s4] =	stream.indirect.scatter.add.f32 [tilespmem:s24], [sflag:$0x5], $0x80, s22, s23, $0xb8;
	[tilespmem:$0x1B100] =	vst v63  }
0x53: {  	s13 =	sadd.s32 s7, s13;
	_ =	swait.ge [sflag:s21], $0x2800  }
0x54: {  	s11 =	sor.u32 s11, s13;
	[sflag:s21] =	ssyncset.done $0x0  }
0x55: {  	s11 =	sshrl.u32 s11, $0x3;
	[sflag:s21] =	ssyncadd.s32 $0xFFFFD800  }
0x56: {  	s11 =	sadd.s32 s3, s11  }
0x57: {  	[tilespmem:s22], [sflag:$0x3] =	stream.linear.gather [hbm4b:s11+s5], $0x80, $0x38;
	[tilespmem:$0x1B100] =	vst v63  }
0x58: {  	_ = 	snop  }
0x59: {  	[tilespmem:s24], [sflag:$0x1] =	stream.indirect.gather [hbm4b:s1+s23], $0x80, s10, s23, $0xb8;
	[tilespmem:$0x1B100] =	vst v63  }
0x5a: {  	_ =	swait.ge [sflag:s31], $0x80  }
0x5b: {  	[sflag:s31] =	ssyncset.done $0x0  }
0x5c: {  	[sflag:s31] =	ssyncadd.s32 $0xFFFFFF80  }
0x5d: {  	_ =	swait.ge [sflag:s2], $0x2800  }
0x5e: {  	s11 =	sand.u32 $0x7C00, s12;
	[sflag:s2] =	ssyncset.done $0x0  }
0x5f: {  	s12 =	sand.u32 $0x380, s12;
	s11 =	sadd.s32 s7, s11;
	[sflag:s2] =	ssyncadd.s32 $0xFFFFD800  }
0x60: {  	[spmem:s4] =	stream.indirect.scatter.add.f32 [tilespmem:s28], [sflag:$0x5], $0x80, s25, s23, $0xb8;
	[tilespmem:$0x1B100] =	vst v63  }
.Ltmp0:
0x61: {  	_ = 	snop;
	(pc) =	sbr.rel @p1 .LBB2_2-.Ltmp0, $4  }
0x62: {  	s11 =	sor.u32 s12, s11;
	_ =	swait.ge [sflag:s21], $0x2800  }
0x63: {  	s11 =	sshrl.u32 s11, $0x3;
	[sflag:s21] =	ssyncset.done $0x0  }
0x64: {  	s10 =	sadd.s32 $0xA0, s10;
	s11 =	sadd.s32 s3, s11;
	[sflag:s21] =	ssyncadd.s32 $0xFFFFD800  }
0x65: {  	[tilespmem:s25], [sflag:$0x4] =	stream.linear.gather [hbm4b:s11+s5], $0x80, $0x38;
	[tilespmem:$0x1B100] =	vst v63  }
0x66: {  	[tilespmem:s28], [sflag:$0x2] =	stream.indirect.gather [hbm4b:s1+s23], $0x80, s9, s23, $0xb8;
	[tilespmem:$0x1B100] =	vst v63  }
0x67: {  	_ =	swait.ge [sflag:s29], $0x80  }
0x68: {  	[sflag:s29] =	ssyncset.done $0x0  }
0x69: {  	[sflag:s29] =	ssyncadd.s32 $0xFFFFFF80  }
0x6a: {  	_ =	swait.ge [sflag:s30], $0x2800  }
0x6b: {  	[sflag:s30] =	ssyncset.done $0x0  }
0x6c: {  	[sflag:s30] =	ssyncadd.s32 $0xFFFFD800  }
0x6d: {  	[spmem:s4] =	stream.indirect.scatter.add.f32 [tilespmem:s24], [sflag:$0x5], $0x80, s22, s23, $0xb8;
	[tilespmem:$0x1B100] =	vst v63  }
0x6e: {  	_ =	swait.ge [sflag:s21], $0x2800  }
0x6f: {  	[sflag:s21] =	ssyncset.done $0x0  }
0x70: {  	[sflag:s21] =	ssyncadd.s32 $0xFFFFD800  }
0x71: {  	[tilespmem:s22], [sflag:$0x3] =	stream.linear.gather [hbm4b:s17+s5], $0x80, $0x38;
	[tilespmem:$0x1B100] =	vst v63  }
0x72: {  	s6 =	simm.s32 $0x15F40  }
0x73: {  	[tilespmem:s24], [sflag:$0x1] =	stream.indirect.gather [hbm4b:s1+s23], $0x80, s6, s23, $0xb8;
	[tilespmem:$0x1B100] =	vst v63  }
0x74: {  	_ =	swait.ge [sflag:s31], $0x80  }
0x75: {  	[sflag:s31] =	ssyncset.done $0x0  }
0x76: {  	[sflag:s31] =	ssyncadd.s32 $0xFFFFFF80  }
0x77: {  	_ =	swait.ge [sflag:s2], $0x2800  }
0x78: {  	[sflag:s2] =	ssyncset.done $0x0  }
0x79: {  	[sflag:s2] =	ssyncadd.s32 $0xFFFFD800  }
0x7a: {  	[spmem:s4] =	stream.indirect.scatter.add.f32 [tilespmem:s28], [sflag:$0x5], $0x80, s25, s23, $0xb8;
	[tilespmem:$0x1B100] =	vst v63  }
0x7b: {  	_ =	swait.ge [sflag:s21], $0x2800  }
0x7c: {  	[sflag:s21] =	ssyncset.done $0x0  }
0x7d: {  	[sflag:s21] =	ssyncadd.s32 $0xFFFFD800  }
0x7e: {  	_ =	swait.ge [sflag:s29], $0x80  }
0x7f: {  	[sflag:s29] =	ssyncset.done $0x0  }
0x80: {  	[sflag:s29] =	ssyncadd.s32 $0xFFFFFF80  }
0x81: {  	_ =	swait.ge [sflag:s30], $0x2800  }
0x82: {  	[sflag:s30] =	ssyncset.done $0x0  }
0x83: {  	[sflag:s30] =	ssyncadd.s32 $0xFFFFD800  }
0x84: {  	[spmem:s4] =	stream.indirect.scatter.add.f32 [tilespmem:s24], [sflag:$0x5], $0x80, s22, s23, $0xb8;
	[tilespmem:$0x1B100] =	vst v63  }
0x85: {  	_ =	swait.ge [sflag:s21], $0x2800  }
0x86: {  	[sflag:s21] =	ssyncset.done $0x0  }
0x87: {  	[sflag:s21] =	ssyncadd.s32 $0xFFFFD800  }
0x88: {  	s6 =	simm.s32 @p0 $0x1FC5;
	[bflag:$0x0] =	sbarrier.arrive $0xFFFF  }
0x89: {  	[hbm:s15], [sflag:s6] =	dma.local @p0 [spmem:s19], $0x2800  }
0x8a: {  	s6 =	simm.s32 @p0 $0x5  }
0x8b: {  	_ =	swait.ge @p0 [sflag:s6], $0x2800  }
0x8c: {  	s18 =	sadd.s32 $0x1, s18;
	[sflag:s6] =	ssyncset.done @p0 $0x0  }
0x8d: {  	p1 =	sne.s32 s18, s16;
	[sflag:s6] =	ssyncadd.s32 @p0 $0xFFFFD800  }
0x8e: {  	[hbm:s14], [sflag:s26] =	dma.local @!p0 [spmem:s0], $0x2700  }
.Ltmp1:
0x8f: {  	_ = 	snop;
	(pc) =	sbr.rel @p1 .LBB2_1-.Ltmp1, $4  }
0x90: {  	s0 =	simm.s32 @!p0 $0x5  }
0x91: {  	_ =	swait.ge @!p0 [sflag:s0], $0x2700  }
0x92: {  	[sflag:s0] =	ssyncset.done @!p0 $0x0  }
0x93: {  	[sflag:s0] =	ssyncadd.s32 @!p0 $0xFFFFD900  }
0x94: {  	_ =	sfence.sel $0x180000  }
0x95: {  	[bflag:$0x0] =	sbarrier.arrive $0xFFFF  }
0x96: {  	_ =	strace $0x90000047  }
0x97: {  	s0 =	stileid.u32;
	[bflag:$0x2] =	sbarrier.arrive $0xFFFF  }
0x98: {  	p0 =	sne.s32 s0, $0x0;
	s0 =	rddreg [dreg:$0x4]  }
0x99: {  	s0 =	sadd.s32 @!p0 $0x100000, s0  }
0x9a: {  	[sflag:s0] =	ssyncadd.tile.s32 @!p0 $0x1;
	_ =	shalt  }
.Lfunc_end2:
_tile_overlayer_lowered:
.L_overlay_start_2:
0x9b: {  	(tag) =	ssettag $0x2  }
0x9c: {  	s0 =	rddreg [dreg:$0x0];
	s2 =	stileid.u32  }
0x9d: {  	s1 =	rddreg [dreg:$0x1];
	p0 =	sne.s32 s2, $0x0  }
0x9e: {  	s3 =	rddreg [dreg:$0x2];
	[bflag:$0x3] =	sbarrier.arrive $0xFFFF;
	s2 =	simm.s32 @!p0 $0x1C05  }
0x9f: {  	[timem:s3], [sflag:s2] =	dma.local @!p0 [hbm:s0], s1  }
0xa0: {  	s0 =	simm.s32 @!p0 $0x5  }
0xa1: {  	_ =	swait.ge @!p0 [sflag:s0], s1  }
0xa2: {  	s1 =	ssub.s32 @!p0 $0x0, s1;
	[sflag:s0] =	ssyncset.done @!p0 $0x0  }
0xa3: {  	[sflag:s0] =	ssyncadd.s32 @!p0 s1  }
0xa4: {  	[bflag:$0x3] =	sbarrier.arrive $0xFFFF  }
0xa5: {  	_ =	shalt  }

</sc_bundles>
